<compile_context>
chip_gen: v7x
topology: tpu7x:2x2x1
jax: 0.10.2.dev20260603
libtpu: 0.0.44.dev20260713+nightly
codegen_flags: <defaults>
</compile_context>

<pallas_src>
import functools

import jax
import jax.numpy as jnp
from jax import lax
from jax.experimental import pallas as pl
from jax.experimental.pallas import tpu as pltpu
from jax.experimental.pallas import tpu_sc as plsc

N = 10000
E = 320000
D = 128
EPS = 1e-5

NC = 2
NS = 16
NW = NC * NS
C = 128
NCHUNK = E // C
CHUNK_ITERS = -(-NCHUNK // NW)
N_PAD = 10240
ROWS_PER_TILE = N_PAD // NS


@functools.cache
def _make_sc_agg(with_cnt):
    mesh = plsc.VectorSubcoreMesh(
        core_axis_name="c", subcore_axis_name="s", num_cores=NC, num_subcores=NS
    )
    out_type = [jax.ShapeDtypeStruct((NC * N_PAD, D), jnp.float32)]
    scratch = [
        pltpu.VMEM_SHARED((N_PAD, D), jnp.float32),
        pltpu.VMEM((C,), jnp.int32),
        pltpu.VMEM((C,), jnp.int32),
        pltpu.VMEM((C, D), jnp.float32),
        pltpu.SemaphoreType.DMA,
    ]
    if with_cnt:
        out_type.append(jax.ShapeDtypeStruct((NC * N_PAD,), jnp.float32))
        scratch += [
            pltpu.VMEM_SHARED((N_PAD,), jnp.float32),
            pltpu.VMEM((C,), jnp.float32),
            pltpu.VMEM((C,), jnp.float32),
        ]

    def body(x_hbm, src_hbm, dst_hbm, zrow_hbm, zcnt_hbm, ones_hbm, *rest):
        if with_cnt:
            agg_out, cnt_out, acc_sh, srcv, dstv, rows, sem, cnt_sh, onesv, cntb = rest
        else:
            agg_out, acc_sh, srcv, dstv, rows, sem = rest
        c = lax.axis_index("c")
        s = lax.axis_index("s")
        wid = c * NS + s
        base_row = s * ROWS_PER_TILE

        pltpu.sync_copy(zrow_hbm, rows)
        if with_cnt:
            pltpu.sync_copy(zcnt_hbm, cntb)
            pltpu.sync_copy(ones_hbm, onesv)
        for j in range(ROWS_PER_TILE // C):
            pltpu.sync_copy(rows, acc_sh.at[pl.ds(base_row + j * C, C)])
            if with_cnt:
                pltpu.sync_copy(cntb, cnt_sh.at[pl.ds(base_row + j * C, C)])
        plsc.subcore_barrier()

        start = (wid * NCHUNK) // NW
        end = ((wid + 1) * NCHUNK) // NW

        def step(cid, carry):
            off = cid * C
            pltpu.sync_copy(src_hbm.at[pl.ds(off, C)], srcv)
            pltpu.sync_copy(dst_hbm.at[pl.ds(off, C)], dstv)
            pltpu.async_copy(x_hbm.at[srcv], rows, sem).wait()
            pltpu.sync_copy(rows, acc_sh.at[dstv], add=True)
            if with_cnt:
                pltpu.sync_copy(onesv, cnt_sh.at[dstv], add=True)
            return carry

        lax.fori_loop(start, end, step, 0)
        plsc.subcore_barrier()

        out_base = c * N_PAD + base_row
        for j in range(ROWS_PER_TILE // C):
            pltpu.sync_copy(acc_sh.at[pl.ds(base_row + j * C, C)], rows)
            pltpu.sync_copy(rows, agg_out.at[pl.ds(out_base + j * C, C)])
            if with_cnt:
                pltpu.sync_copy(cnt_sh.at[pl.ds(base_row + j * C, C)], cntb)
                pltpu.sync_copy(cntb, cnt_out.at[pl.ds(out_base + j * C, C)])

    return pl.kernel(body, out_type=out_type, mesh=mesh, scratch_types=scratch)


def _bn_relu(h):
    m = jnp.mean(h, axis=0, keepdims=True)
    d = h - m
    v = jnp.mean(d * d, axis=0, keepdims=True)
    return jnp.maximum(d * lax.rsqrt(v + EPS), 0.0)


def _tc_layer1(aggp_ref, cntp_ref, x_ref, wlT_ref, bl_ref, wrT_ref, o_ref):
    a = aggp_ref[pl.ds(0, N), :] + aggp_ref[pl.ds(N_PAD, N), :]
    cnt1 = cntp_ref[pl.ds(0, N)] + cntp_ref[pl.ds(N_PAD, N)]
    cnt = jnp.maximum(cnt1.reshape(N, 1), 1.0)
    agg = a / cnt
    h = (
        jnp.dot(agg, wlT_ref[...], preferred_element_type=jnp.float32)
        + bl_ref[...]
        + jnp.dot(x_ref[...], wrT_ref[...], preferred_element_type=jnp.float32)
    )
    o_ref[...] = _bn_relu(h)


def _tc_layer2_head(
    aggp_ref, cntp_ref, h1_ref, wlT_ref, bl_ref, wrT_ref,
    w1T_ref, b1_ref, w2T_ref, b2_ref, o_ref
):
    a = aggp_ref[pl.ds(0, N), :] + aggp_ref[pl.ds(N_PAD, N), :]
    cnt1 = cntp_ref[pl.ds(0, N)] + cntp_ref[pl.ds(N_PAD, N)]
    cnt = jnp.maximum(cnt1.reshape(N, 1), 1.0)
    agg = a / cnt
    h = (
        jnp.dot(agg, wlT_ref[...], preferred_element_type=jnp.float32)
        + bl_ref[...]
        + jnp.dot(h1_ref[...], wrT_ref[...], preferred_element_type=jnp.float32)
    )
    h = _bn_relu(h)
    h = jnp.dot(h, w1T_ref[...], preferred_element_type=jnp.float32) + b1_ref[...]
    h = _bn_relu(h)
    o_ref[...] = (
        jnp.dot(h, w2T_ref[...], preferred_element_type=jnp.float32) + b2_ref[...]
    )


def kernel(x, edge_index, Wl1, bl1, Wr1, Wl2, bl2, Wr2, W1, b1, W2, b2):
    _sc_agg_cnt = _make_sc_agg(with_cnt=True)
    _sc_agg = _make_sc_agg(with_cnt=False)
    src = edge_index[0]
    dst = edge_index[1]
    zrow = jnp.zeros((C, D), jnp.float32)
    zcnt = jnp.zeros((C,), jnp.float32)
    ones = jnp.ones((C,), jnp.float32)

    aggp1, cntp = _sc_agg_cnt(x, src, dst, zrow, zcnt, ones)

    h1 = pl.pallas_call(
        _tc_layer1,
        out_shape=jax.ShapeDtypeStruct((N, D), jnp.float32),
    )(aggp1, cntp, x, Wl1.T, bl1.reshape(1, D), Wr1.T)

    (aggp2,) = _sc_agg(h1, src, dst, zrow, zcnt, ones)

    w2T = jnp.zeros((D, 8), jnp.float32).at[:, :2].set(W2.T)
    b2p = jnp.zeros((1, 8), jnp.float32).at[:, :2].set(b2.reshape(1, 2))
    out8 = pl.pallas_call(
        _tc_layer2_head,
        out_shape=jax.ShapeDtypeStruct((N, 8), jnp.float32),
    )(
        aggp2, cntp, h1, Wl2.T, bl2.reshape(1, D), Wr2.T,
        W1.T, b1.reshape(1, D), w2T, b2p,
    )
    return out8[:, :2]

# --- scband reference (transcript-rebuilt; emitter-appended) ---
"""Pipeline reference for scband-graphsage-23862838297158 (READ-ONLY COPY).

The authoritative reference and input builder live on the scoring server;
editing this copy changes nothing except your own understanding.
"""

import jax, jax.numpy as jnp
import numpy as np

N = 10000
E = 320000
D = 128
H = 128
EPS = 1e-5


def _init_w(k, shape, fan_in):
    return jax.random.normal(k, shape, dtype=jnp.float32) * (1.0 / np.sqrt(fan_in))


def setup_inputs(seed: int = 0):
    key = jax.random.key(seed)
    ks = jax.random.split(key, 16)
    x = jax.random.normal(ks[0], (N, D), dtype=jnp.float32)
    edge_index = jax.random.randint(ks[1], (2, E), 0, N, dtype=jnp.int32)
    return {
        "x": x,
        "edge_index": edge_index,
        "Wl1": _init_w(ks[2], (H, D), D),
        "bl1": jnp.zeros((H,), dtype=jnp.float32),
        "Wr1": _init_w(ks[3], (H, D), D),
        "Wl2": _init_w(ks[4], (H, H), H),
        "bl2": jnp.zeros((H,), dtype=jnp.float32),
        "Wr2": _init_w(ks[5], (H, H), H),
        "W1": _init_w(ks[6], (H, H), H),
        "b1": jnp.zeros((H,), dtype=jnp.float32),
        "W2": _init_w(ks[7], (2, H), H),
        "b2": jnp.zeros((2,), dtype=jnp.float32),
    }


def _bn(x):
    # BatchNorm1d with track_running_stats=False, affine=False: batch stats, biased var
    m = jnp.mean(x, axis=0)
    v = jnp.var(x, axis=0)
    return (x - m) / jnp.sqrt(v + EPS)


def _sage(x, src, dst, Wl, bl, Wr):
    # PyG SAGEConv default: mean aggregation of neighbor messages,
    # out = lin_l(mean_agg) + lin_r(x_root); lin_l has bias, lin_r does not.
    msgs = jnp.take(x, src, axis=0)
    agg = jax.ops.segment_sum(msgs, dst, num_segments=N)
    cnt = jax.ops.segment_sum(jnp.ones((msgs.shape[0],), dtype=x.dtype), dst, num_segments=N)
    agg = agg / jnp.maximum(cnt, 1.0)[:, None]
    return agg @ Wl.T + bl + x @ Wr.T


def reference(x, edge_index, Wl1, bl1, Wr1, Wl2, bl2, Wr2, W1, b1, W2, b2):
    src = edge_index[0]
    dst = edge_index[1]
    h = _sage(x, src, dst, Wl1, bl1, Wr1)
    h = jax.nn.relu(_bn(h))
    h = _sage(h, src, dst, Wl2, bl2, Wr2)
    h = jax.nn.relu(_bn(h))
    h = h @ W1.T + b1
    h = jax.nn.relu(_bn(h))
    out = h @ W2.T + b2
    return out

if __name__ == "__main__":
    import jax
    _d = setup_inputs()
    print(jax.jit(kernel)(*tuple(_d.values())))

</pallas_src>

<mosaic_0001>
#map = affine_map<(d0, d1) -> (0, 0)>
#map1 = affine_map<(d0, d1) -> (0)>
module attributes {stable_mosaic.version = 14 : i64} {
  func.func @body(%arg0: i32, %arg1: i32, %arg2: memref<10000x128xf32, #tpu.memory_space<hbm>>, %arg3: memref<320000xi32, #tpu.memory_space<hbm>>, %arg4: memref<320000xi32, #tpu.memory_space<hbm>>, %arg5: memref<128x128xf32, #tpu.memory_space<hbm>>, %arg6: memref<128xf32, #tpu.memory_space<hbm>>, %arg7: memref<128xf32, #tpu.memory_space<hbm>>, %arg8: memref<20480x128xf32, #tpu.memory_space<hbm>>, %arg9: memref<20480xf32, #tpu.memory_space<hbm>>, %arg10: memref<10240x128xf32, #tpu.memory_space<vmem_shared>>, %arg11: memref<128xi32, #tpu.memory_space<vmem>>, %arg12: memref<128xi32, #tpu.memory_space<vmem>>, %arg13: memref<128x128xf32, #tpu.memory_space<vmem>>, %arg14: memref<!tpu.dma_semaphore, #tpu.memory_space<semaphore_mem>>, %arg15: memref<10240xf32, #tpu.memory_space<vmem_shared>>, %arg16: memref<128xf32, #tpu.memory_space<vmem>>, %arg17: memref<128xf32, #tpu.memory_space<vmem>>) attributes {dimension_semantics = [#tpu.dimension_semantics<core_parallel>, #tpu.dimension_semantics<subcore_parallel>], iteration_bounds = array<i64: 2, 16>, scalar_prefetch = 0 : i64, scratch_operands = 8 : i64, tpu.core_type = #tpu.core_type<sc_vector_subcore>, window_params = [{transform_indices = #map}, {transform_indices = #map1}, {transform_indices = #map1}, {transform_indices = #map}, {transform_indices = #map1}, {transform_indices = #map1}, {transform_indices = #map}, {transform_indices = #map1}]} {
    %mul3A = arith.constant 16 : i32
    %mul3A_0 = arith.muli %arg0, %mul3A : i32
    %add3A = arith.addi %mul3A_0, %arg1 : i32
    %mul3A_1 = arith.constant 640 : i32
    %mul3A_2 = arith.muli %arg1, %mul3A_1 : i32
    "tpu.region"() ({
      %run_scoped3A = tpu.sem_alloc : memref<!tpu.dma_semaphore, #tpu.memory_space<semaphore_mem>>
      tpu.enqueue_dma source(%arg5 : memref<128x128xf32, #tpu.memory_space<hbm>>) target(%arg13 : memref<128x128xf32, #tpu.memory_space<vmem>>) target_semaphore(%run_scoped3A : memref<!tpu.dma_semaphore, #tpu.memory_space<semaphore_mem>>)
      tpu.wait_dma2 semaphore(%run_scoped3A : memref<!tpu.dma_semaphore, #tpu.memory_space<semaphore_mem>>) src(%arg5 : memref<128x128xf32, #tpu.memory_space<hbm>>) dst(%arg13 : memref<128x128xf32, #tpu.memory_space<vmem>>)
      tpu.yield
    }) : () -> ()
    "tpu.region"() ({
      %run_scoped3A = tpu.sem_alloc : memref<!tpu.dma_semaphore, #tpu.memory_space<semaphore_mem>>
      tpu.enqueue_dma source(%arg6 : memref<128xf32, #tpu.memory_space<hbm>>) target(%arg17 : memref<128xf32, #tpu.memory_space<vmem>>) target_semaphore(%run_scoped3A : memref<!tpu.dma_semaphore, #tpu.memory_space<semaphore_mem>>)
      tpu.wait_dma2 semaphore(%run_scoped3A : memref<!tpu.dma_semaphore, #tpu.memory_space<semaphore_mem>>) src(%arg6 : memref<128xf32, #tpu.memory_space<hbm>>) dst(%arg17 : memref<128xf32, #tpu.memory_space<vmem>>)
      tpu.yield
    }) : () -> ()
    "tpu.region"() ({
      %run_scoped3A = tpu.sem_alloc : memref<!tpu.dma_semaphore, #tpu.memory_space<semaphore_mem>>
      tpu.enqueue_dma source(%arg7 : memref<128xf32, #tpu.memory_space<hbm>>) target(%arg16 : memref<128xf32, #tpu.memory_space<vmem>>) target_semaphore(%run_scoped3A : memref<!tpu.dma_semaphore, #tpu.memory_space<semaphore_mem>>)
      tpu.wait_dma2 semaphore(%run_scoped3A : memref<!tpu.dma_semaphore, #tpu.memory_space<semaphore_mem>>) src(%arg7 : memref<128xf32, #tpu.memory_space<hbm>>) dst(%arg16 : memref<128xf32, #tpu.memory_space<vmem>>)
      tpu.yield
    }) : () -> ()
    %add3A_3 = arith.constant 0 : i32
    %add3A_4 = arith.addi %mul3A_2, %add3A_3 : i32
    "tpu.region"() ({
      %run_scoped3A = tpu.sem_alloc : memref<!tpu.dma_semaphore, #tpu.memory_space<semaphore_mem>>
      %dma_start3A = arith.constant 0 : i32
      %dma_start3A_121 = tpu.memref_slice %arg10[%add3A_4, %dma_start3A] : memref<10240x128xf32, #tpu.memory_space<vmem_shared>> -> memref<128x128xf32, #tpu.memory_space<vmem_shared>>
      %dma_start3A_122 = arith.constant 0 : i32
      %dma_start3A_123 = tpu.memref_slice %arg10[%add3A_4, %dma_start3A_122] : memref<10240x128xf32, #tpu.memory_space<vmem_shared>> -> memref<128x128xf32, #tpu.memory_space<vmem_shared>>
      tpu.enqueue_dma source(%arg13 : memref<128x128xf32, #tpu.memory_space<vmem>>) target(%dma_start3A_123 : memref<128x128xf32, #tpu.memory_space<vmem_shared>>) target_semaphore(%run_scoped3A : memref<!tpu.dma_semaphore, #tpu.memory_space<semaphore_mem>>)
      %dma_wait3A = arith.constant 0 : i32
      %dma_wait3A_124 = tpu.memref_slice %arg10[%add3A_4, %dma_wait3A] : memref<10240x128xf32, #tpu.memory_space<vmem_shared>> -> memref<128x128xf32, #tpu.memory_space<vmem_shared>>
      %dma_wait3A_125 = arith.constant 0 : i32
      %dma_wait3A_126 = tpu.memref_slice %arg10[%add3A_4, %dma_wait3A_125] : memref<10240x128xf32, #tpu.memory_space<vmem_shared>> -> memref<128x128xf32, #tpu.memory_space<vmem_shared>>
      tpu.wait_dma2 semaphore(%run_scoped3A : memref<!tpu.dma_semaphore, #tpu.memory_space<semaphore_mem>>) src(%arg13 : memref<128x128xf32, #tpu.memory_space<vmem>>) dst(%dma_wait3A_126 : memref<128x128xf32, #tpu.memory_space<vmem_shared>>)
      tpu.yield
    }) : () -> ()
    %add3A_5 = arith.constant 0 : i32
    %add3A_6 = arith.addi %mul3A_2, %add3A_5 : i32
    "tpu.region"() ({
      %run_scoped3A = tpu.sem_alloc : memref<!tpu.dma_semaphore, #tpu.memory_space<semaphore_mem>>
      %dma_start3A = tpu.memref_slice %arg15[%add3A_6] : memref<10240xf32, #tpu.memory_space<vmem_shared>> -> memref<128xf32, #tpu.memory_space<vmem_shared>>
      %dma_start3A_121 = tpu.memref_slice %arg15[%add3A_6] : memref<10240xf32, #tpu.memory_space<vmem_shared>> -> memref<128xf32, #tpu.memory_space<vmem_shared>>
      tpu.enqueue_dma source(%arg17 : memref<128xf32, #tpu.memory_space<vmem>>) target(%dma_start3A_121 : memref<128xf32, #tpu.memory_space<vmem_shared>>) target_semaphore(%run_scoped3A : memref<!tpu.dma_semaphore, #tpu.memory_space<semaphore_mem>>)
      %dma_wait3A = tpu.memref_slice %arg15[%add3A_6] : memref<10240xf32, #tpu.memory_space<vmem_shared>> -> memref<128xf32, #tpu.memory_space<vmem_shared>>
      %dma_wait3A_122 = tpu.memref_slice %arg15[%add3A_6] : memref<10240xf32, #tpu.memory_space<vmem_shared>> -> memref<128xf32, #tpu.memory_space<vmem_shared>>
      tpu.wait_dma2 semaphore(%run_scoped3A : memref<!tpu.dma_semaphore, #tpu.memory_space<semaphore_mem>>) src(%arg17 : memref<128xf32, #tpu.memory_space<vmem>>) dst(%dma_wait3A_122 : memref<128xf32, #tpu.memory_space<vmem_shared>>)
      tpu.yield
    }) : () -> ()
    %add3A_7 = arith.constant 128 : i32
    %add3A_8 = arith.addi %mul3A_2, %add3A_7 : i32
    "tpu.region"() ({
      %run_scoped3A = tpu.sem_alloc : memref<!tpu.dma_semaphore, #tpu.memory_space<semaphore_mem>>
      %dma_start3A = arith.constant 0 : i32
      %dma_start3A_121 = tpu.memref_slice %arg10[%add3A_8, %dma_start3A] : memref<10240x128xf32, #tpu.memory_space<vmem_shared>> -> memref<128x128xf32, #tpu.memory_space<vmem_shared>>
      %dma_start3A_122 = arith.constant 0 : i32
      %dma_start3A_123 = tpu.memref_slice %arg10[%add3A_8, %dma_start3A_122] : memref<10240x128xf32, #tpu.memory_space<vmem_shared>> -> memref<128x128xf32, #tpu.memory_space<vmem_shared>>
      tpu.enqueue_dma source(%arg13 : memref<128x128xf32, #tpu.memory_space<vmem>>) target(%dma_start3A_123 : memref<128x128xf32, #tpu.memory_space<vmem_shared>>) target_semaphore(%run_scoped3A : memref<!tpu.dma_semaphore, #tpu.memory_space<semaphore_mem>>)
      %dma_wait3A = arith.constant 0 : i32
      %dma_wait3A_124 = tpu.memref_slice %arg10[%add3A_8, %dma_wait3A] : memref<10240x128xf32, #tpu.memory_space<vmem_shared>> -> memref<128x128xf32, #tpu.memory_space<vmem_shared>>
      %dma_wait3A_125 = arith.constant 0 : i32
      %dma_wait3A_126 = tpu.memref_slice %arg10[%add3A_8, %dma_wait3A_125] : memref<10240x128xf32, #tpu.memory_space<vmem_shared>> -> memref<128x128xf32, #tpu.memory_space<vmem_shared>>
      tpu.wait_dma2 semaphore(%run_scoped3A : memref<!tpu.dma_semaphore, #tpu.memory_space<semaphore_mem>>) src(%arg13 : memref<128x128xf32, #tpu.memory_space<vmem>>) dst(%dma_wait3A_126 : memref<128x128xf32, #tpu.memory_space<vmem_shared>>)
      tpu.yield
    }) : () -> ()
    %add3A_9 = arith.constant 128 : i32
    %add3A_10 = arith.addi %mul3A_2, %add3A_9 : i32
    "tpu.region"() ({
      %run_scoped3A = tpu.sem_alloc : memref<!tpu.dma_semaphore, #tpu.memory_space<semaphore_mem>>
      %dma_start3A = tpu.memref_slice %arg15[%add3A_10] : memref<10240xf32, #tpu.memory_space<vmem_shared>> -> memref<128xf32, #tpu.memory_space<vmem_shared>>
      %dma_start3A_121 = tpu.memref_slice %arg15[%add3A_10] : memref<10240xf32, #tpu.memory_space<vmem_shared>> -> memref<128xf32, #tpu.memory_space<vmem_shared>>
      tpu.enqueue_dma source(%arg17 : memref<128xf32, #tpu.memory_space<vmem>>) target(%dma_start3A_121 : memref<128xf32, #tpu.memory_space<vmem_shared>>) target_semaphore(%run_scoped3A : memref<!tpu.dma_semaphore, #tpu.memory_space<semaphore_mem>>)
      %dma_wait3A = tpu.memref_slice %arg15[%add3A_10] : memref<10240xf32, #tpu.memory_space<vmem_shared>> -> memref<128xf32, #tpu.memory_space<vmem_shared>>
      %dma_wait3A_122 = tpu.memref_slice %arg15[%add3A_10] : memref<10240xf32, #tpu.memory_space<vmem_shared>> -> memref<128xf32, #tpu.memory_space<vmem_shared>>
      tpu.wait_dma2 semaphore(%run_scoped3A : memref<!tpu.dma_semaphore, #tpu.memory_space<semaphore_mem>>) src(%arg17 : memref<128xf32, #tpu.memory_space<vmem>>) dst(%dma_wait3A_122 : memref<128xf32, #tpu.memory_space<vmem_shared>>)
      tpu.yield
    }) : () -> ()
    %add3A_11 = arith.constant 256 : i32
    %add3A_12 = arith.addi %mul3A_2, %add3A_11 : i32
    "tpu.region"() ({
      %run_scoped3A = tpu.sem_alloc : memref<!tpu.dma_semaphore, #tpu.memory_space<semaphore_mem>>
      %dma_start3A = arith.constant 0 : i32
      %dma_start3A_121 = tpu.memref_slice %arg10[%add3A_12, %dma_start3A] : memref<10240x128xf32, #tpu.memory_space<vmem_shared>> -> memref<128x128xf32, #tpu.memory_space<vmem_shared>>
      %dma_start3A_122 = arith.constant 0 : i32
      %dma_start3A_123 = tpu.memref_slice %arg10[%add3A_12, %dma_start3A_122] : memref<10240x128xf32, #tpu.memory_space<vmem_shared>> -> memref<128x128xf32, #tpu.memory_space<vmem_shared>>
      tpu.enqueue_dma source(%arg13 : memref<128x128xf32, #tpu.memory_space<vmem>>) target(%dma_start3A_123 : memref<128x128xf32, #tpu.memory_space<vmem_shared>>) target_semaphore(%run_scoped3A : memref<!tpu.dma_semaphore, #tpu.memory_space<semaphore_mem>>)
      %dma_wait3A = arith.constant 0 : i32
      %dma_wait3A_124 = tpu.memref_slice %arg10[%add3A_12, %dma_wait3A] : memref<10240x128xf32, #tpu.memory_space<vmem_shared>> -> memref<128x128xf32, #tpu.memory_space<vmem_shared>>
      %dma_wait3A_125 = arith.constant 0 : i32
      %dma_wait3A_126 = tpu.memref_slice %arg10[%add3A_12, %dma_wait3A_125] : memref<10240x128xf32, #tpu.memory_space<vmem_shared>> -> memref<128x128xf32, #tpu.memory_space<vmem_shared>>
      tpu.wait_dma2 semaphore(%run_scoped3A : memref<!tpu.dma_semaphore, #tpu.memory_space<semaphore_mem>>) src(%arg13 : memref<128x128xf32, #tpu.memory_space<vmem>>) dst(%dma_wait3A_126 : memref<128x128xf32, #tpu.memory_space<vmem_shared>>)
      tpu.yield
    }) : () -> ()
    %add3A_13 = arith.constant 256 : i32
    %add3A_14 = arith.addi %mul3A_2, %add3A_13 : i32
    "tpu.region"() ({
      %run_scoped3A = tpu.sem_alloc : memref<!tpu.dma_semaphore, #tpu.memory_space<semaphore_mem>>
      %dma_start3A = tpu.memref_slice %arg15[%add3A_14] : memref<10240xf32, #tpu.memory_space<vmem_shared>> -> memref<128xf32, #tpu.memory_space<vmem_shared>>
      %dma_start3A_121 = tpu.memref_slice %arg15[%add3A_14] : memref<10240xf32, #tpu.memory_space<vmem_shared>> -> memref<128xf32, #tpu.memory_space<vmem_shared>>
      tpu.enqueue_dma source(%arg17 : memref<128xf32, #tpu.memory_space<vmem>>) target(%dma_start3A_121 : memref<128xf32, #tpu.memory_space<vmem_shared>>) target_semaphore(%run_scoped3A : memref<!tpu.dma_semaphore, #tpu.memory_space<semaphore_mem>>)
      %dma_wait3A = tpu.memref_slice %arg15[%add3A_14] : memref<10240xf32, #tpu.memory_space<vmem_shared>> -> memref<128xf32, #tpu.memory_space<vmem_shared>>
      %dma_wait3A_122 = tpu.memref_slice %arg15[%add3A_14] : memref<10240xf32, #tpu.memory_space<vmem_shared>> -> memref<128xf32, #tpu.memory_space<vmem_shared>>
      tpu.wait_dma2 semaphore(%run_scoped3A : memref<!tpu.dma_semaphore, #tpu.memory_space<semaphore_mem>>) src(%arg17 : memref<128xf32, #tpu.memory_space<vmem>>) dst(%dma_wait3A_122 : memref<128xf32, #tpu.memory_space<vmem_shared>>)
      tpu.yield
    }) : () -> ()
    %add3A_15 = arith.constant 384 : i32
    %add3A_16 = arith.addi %mul3A_2, %add3A_15 : i32
    "tpu.region"() ({
      %run_scoped3A = tpu.sem_alloc : memref<!tpu.dma_semaphore, #tpu.memory_space<semaphore_mem>>
      %dma_start3A = arith.constant 0 : i32
      %dma_start3A_121 = tpu.memref_slice %arg10[%add3A_16, %dma_start3A] : memref<10240x128xf32, #tpu.memory_space<vmem_shared>> -> memref<128x128xf32, #tpu.memory_space<vmem_shared>>
      %dma_start3A_122 = arith.constant 0 : i32
      %dma_start3A_123 = tpu.memref_slice %arg10[%add3A_16, %dma_start3A_122] : memref<10240x128xf32, #tpu.memory_space<vmem_shared>> -> memref<128x128xf32, #tpu.memory_space<vmem_shared>>
      tpu.enqueue_dma source(%arg13 : memref<128x128xf32, #tpu.memory_space<vmem>>) target(%dma_start3A_123 : memref<128x128xf32, #tpu.memory_space<vmem_shared>>) target_semaphore(%run_scoped3A : memref<!tpu.dma_semaphore, #tpu.memory_space<semaphore_mem>>)
      %dma_wait3A = arith.constant 0 : i32
      %dma_wait3A_124 = tpu.memref_slice %arg10[%add3A_16, %dma_wait3A] : memref<10240x128xf32, #tpu.memory_space<vmem_shared>> -> memref<128x128xf32, #tpu.memory_space<vmem_shared>>
      %dma_wait3A_125 = arith.constant 0 : i32
      %dma_wait3A_126 = tpu.memref_slice %arg10[%add3A_16, %dma_wait3A_125] : memref<10240x128xf32, #tpu.memory_space<vmem_shared>> -> memref<128x128xf32, #tpu.memory_space<vmem_shared>>
      tpu.wait_dma2 semaphore(%run_scoped3A : memref<!tpu.dma_semaphore, #tpu.memory_space<semaphore_mem>>) src(%arg13 : memref<128x128xf32, #tpu.memory_space<vmem>>) dst(%dma_wait3A_126 : memref<128x128xf32, #tpu.memory_space<vmem_shared>>)
      tpu.yield
    }) : () -> ()
    %add3A_17 = arith.constant 384 : i32
    %add3A_18 = arith.addi %mul3A_2, %add3A_17 : i32
    "tpu.region"() ({
      %run_scoped3A = tpu.sem_alloc : memref<!tpu.dma_semaphore, #tpu.memory_space<semaphore_mem>>
      %dma_start3A = tpu.memref_slice %arg15[%add3A_18] : memref<10240xf32, #tpu.memory_space<vmem_shared>> -> memref<128xf32, #tpu.memory_space<vmem_shared>>
      %dma_start3A_121 = tpu.memref_slice %arg15[%add3A_18] : memref<10240xf32, #tpu.memory_space<vmem_shared>> -> memref<128xf32, #tpu.memory_space<vmem_shared>>
      tpu.enqueue_dma source(%arg17 : memref<128xf32, #tpu.memory_space<vmem>>) target(%dma_start3A_121 : memref<128xf32, #tpu.memory_space<vmem_shared>>) target_semaphore(%run_scoped3A : memref<!tpu.dma_semaphore, #tpu.memory_space<semaphore_mem>>)
      %dma_wait3A = tpu.memref_slice %arg15[%add3A_18] : memref<10240xf32, #tpu.memory_space<vmem_shared>> -> memref<128xf32, #tpu.memory_space<vmem_shared>>
      %dma_wait3A_122 = tpu.memref_slice %arg15[%add3A_18] : memref<10240xf32, #tpu.memory_space<vmem_shared>> -> memref<128xf32, #tpu.memory_space<vmem_shared>>
      tpu.wait_dma2 semaphore(%run_scoped3A : memref<!tpu.dma_semaphore, #tpu.memory_space<semaphore_mem>>) src(%arg17 : memref<128xf32, #tpu.memory_space<vmem>>) dst(%dma_wait3A_122 : memref<128xf32, #tpu.memory_space<vmem_shared>>)
      tpu.yield
    }) : () -> ()
    %add3A_19 = arith.constant 512 : i32
    %add3A_20 = arith.addi %mul3A_2, %add3A_19 : i32
    "tpu.region"() ({
      %run_scoped3A = tpu.sem_alloc : memref<!tpu.dma_semaphore, #tpu.memory_space<semaphore_mem>>
      %dma_start3A = arith.constant 0 : i32
      %dma_start3A_121 = tpu.memref_slice %arg10[%add3A_20, %dma_start3A] : memref<10240x128xf32, #tpu.memory_space<vmem_shared>> -> memref<128x128xf32, #tpu.memory_space<vmem_shared>>
      %dma_start3A_122 = arith.constant 0 : i32
      %dma_start3A_123 = tpu.memref_slice %arg10[%add3A_20, %dma_start3A_122] : memref<10240x128xf32, #tpu.memory_space<vmem_shared>> -> memref<128x128xf32, #tpu.memory_space<vmem_shared>>
      tpu.enqueue_dma source(%arg13 : memref<128x128xf32, #tpu.memory_space<vmem>>) target(%dma_start3A_123 : memref<128x128xf32, #tpu.memory_space<vmem_shared>>) target_semaphore(%run_scoped3A : memref<!tpu.dma_semaphore, #tpu.memory_space<semaphore_mem>>)
      %dma_wait3A = arith.constant 0 : i32
      %dma_wait3A_124 = tpu.memref_slice %arg10[%add3A_20, %dma_wait3A] : memref<10240x128xf32, #tpu.memory_space<vmem_shared>> -> memref<128x128xf32, #tpu.memory_space<vmem_shared>>
      %dma_wait3A_125 = arith.constant 0 : i32
      %dma_wait3A_126 = tpu.memref_slice %arg10[%add3A_20, %dma_wait3A_125] : memref<10240x128xf32, #tpu.memory_space<vmem_shared>> -> memref<128x128xf32, #tpu.memory_space<vmem_shared>>
      tpu.wait_dma2 semaphore(%run_scoped3A : memref<!tpu.dma_semaphore, #tpu.memory_space<semaphore_mem>>) src(%arg13 : memref<128x128xf32, #tpu.memory_space<vmem>>) dst(%dma_wait3A_126 : memref<128x128xf32, #tpu.memory_space<vmem_shared>>)
      tpu.yield
    }) : () -> ()
    %add3A_21 = arith.constant 512 : i32
    %add3A_22 = arith.addi %mul3A_2, %add3A_21 : i32
    "tpu.region"() ({
      %run_scoped3A = tpu.sem_alloc : memref<!tpu.dma_semaphore, #tpu.memory_space<semaphore_mem>>
      %dma_start3A = tpu.memref_slice %arg15[%add3A_22] : memref<10240xf32, #tpu.memory_space<vmem_shared>> -> memref<128xf32, #tpu.memory_space<vmem_shared>>
      %dma_start3A_121 = tpu.memref_slice %arg15[%add3A_22] : memref<10240xf32, #tpu.memory_space<vmem_shared>> -> memref<128xf32, #tpu.memory_space<vmem_shared>>
      tpu.enqueue_dma source(%arg17 : memref<128xf32, #tpu.memory_space<vmem>>) target(%dma_start3A_121 : memref<128xf32, #tpu.memory_space<vmem_shared>>) target_semaphore(%run_scoped3A : memref<!tpu.dma_semaphore, #tpu.memory_space<semaphore_mem>>)
      %dma_wait3A = tpu.memref_slice %arg15[%add3A_22] : memref<10240xf32, #tpu.memory_space<vmem_shared>> -> memref<128xf32, #tpu.memory_space<vmem_shared>>
      %dma_wait3A_122 = tpu.memref_slice %arg15[%add3A_22] : memref<10240xf32, #tpu.memory_space<vmem_shared>> -> memref<128xf32, #tpu.memory_space<vmem_shared>>
      tpu.wait_dma2 semaphore(%run_scoped3A : memref<!tpu.dma_semaphore, #tpu.memory_space<semaphore_mem>>) src(%arg17 : memref<128xf32, #tpu.memory_space<vmem>>) dst(%dma_wait3A_122 : memref<128xf32, #tpu.memory_space<vmem_shared>>)
      tpu.yield
    }) : () -> ()
    %barrier3A = arith.constant 0 : index
    tpu.barrier barrier_id(%barrier3A)
    %mul3A_23 = arith.constant 2500 : i32
    %mul3A_24 = arith.muli %add3A, %mul3A_23 : i32
    %jit3A = arith.constant 32 : i32
    %div3A = arith.divsi %mul3A_24, %jit3A : i32
    %sign3A = arith.constant 0 : i32
    %sign3A_25 = arith.cmpi sgt, %mul3A_24, %sign3A : i32
    %sign3A_26 = arith.extui %sign3A_25 : i1 to i32
    %sign3A_27 = arith.constant 0 : i32
    %sign3A_28 = arith.cmpi slt, %mul3A_24, %sign3A_27 : i32
    %sign3A_29 = arith.extui %sign3A_28 : i1 to i32
    %sign3A_30 = arith.subi %sign3A_26, %sign3A_29 : i32
    %sign3A_31 = arith.constant 0 : i32
    %sign3A_32 = arith.cmpi sgt, %jit3A, %sign3A_31 : i32
    %sign3A_33 = arith.extui %sign3A_32 : i1 to i32
    %sign3A_34 = arith.constant 0 : i32
    %sign3A_35 = arith.cmpi slt, %jit3A, %sign3A_34 : i32
    %sign3A_36 = arith.extui %sign3A_35 : i1 to i32
    %sign3A_37 = arith.subi %sign3A_33, %sign3A_36 : i32
    %ne3A = arith.cmpi ne, %sign3A_30, %sign3A_37 : i32
    %rem3A = arith.remsi %mul3A_24, %jit3A : i32
    %ne3A_38 = arith.constant 0 : i32
    %ne3A_39 = arith.cmpi ne, %rem3A, %ne3A_38 : i32
    %and3A = arith.andi %ne3A, %ne3A_39 : i1
    %sub3A = arith.constant 1 : i32
    %sub3A_40 = arith.subi %div3A, %sub3A : i32
    %select_n3A = arith.select %and3A, %sub3A_40, %div3A : i32
    %add3A_41 = arith.constant 1 : i32
    %add3A_42 = arith.addi %add3A, %add3A_41 : i32
    %mul3A_43 = arith.constant 2500 : i32
    %mul3A_44 = arith.muli %add3A_42, %mul3A_43 : i32
    %jit3A_45 = arith.constant 32 : i32
    %div3A_46 = arith.divsi %mul3A_44, %jit3A_45 : i32
    %sign3A_47 = arith.constant 0 : i32
    %sign3A_48 = arith.cmpi sgt, %mul3A_44, %sign3A_47 : i32
    %sign3A_49 = arith.extui %sign3A_48 : i1 to i32
    %sign3A_50 = arith.constant 0 : i32
    %sign3A_51 = arith.cmpi slt, %mul3A_44, %sign3A_50 : i32
    %sign3A_52 = arith.extui %sign3A_51 : i1 to i32
    %sign3A_53 = arith.subi %sign3A_49, %sign3A_52 : i32
    %sign3A_54 = arith.constant 0 : i32
    %sign3A_55 = arith.cmpi sgt, %jit3A_45, %sign3A_54 : i32
    %sign3A_56 = arith.extui %sign3A_55 : i1 to i32
    %sign3A_57 = arith.constant 0 : i32
    %sign3A_58 = arith.cmpi slt, %jit3A_45, %sign3A_57 : i32
    %sign3A_59 = arith.extui %sign3A_58 : i1 to i32
    %sign3A_60 = arith.subi %sign3A_56, %sign3A_59 : i32
    %ne3A_61 = arith.cmpi ne, %sign3A_53, %sign3A_60 : i32
    %rem3A_62 = arith.remsi %mul3A_44, %jit3A_45 : i32
    %ne3A_63 = arith.constant 0 : i32
    %ne3A_64 = arith.cmpi ne, %rem3A_62, %ne3A_63 : i32
    %and3A_65 = arith.andi %ne3A_61, %ne3A_64 : i1
    %sub3A_66 = arith.constant 1 : i32
    %sub3A_67 = arith.subi %div3A_46, %sub3A_66 : i32
    %select_n3A_68 = arith.select %and3A_65, %sub3A_67, %div3A_46 : i32
    %while3A = arith.constant 0 : i32
    %while3A_69 = arith.subi %select_n3A_68, %select_n3A : i32
    %while3A_70 = arith.addi %select_n3A, %while3A_69 : i32
    %while3A_71 = arith.constant 1 : i32
    %while3A_72 = arith.divsi %while3A_69, %while3A_71 : i32
    %while3A_73 = arith.muli %while3A_72, %while3A_71 : i32
    %while3A_74 = arith.addi %select_n3A, %while3A_73 : i32
    %while3A_75 = arith.constant 1 : i32
    scf.for %while3A_121 = %select_n3A to %while3A_74 step %while3A_75  : i32 {
      %mul3A_122 = arith.constant 128 : i32
      %mul3A_123 = arith.muli %while3A_121, %mul3A_122 : i32
      "tpu.region"() ({
        %run_scoped3A = tpu.sem_alloc : memref<!tpu.dma_semaphore, #tpu.memory_space<semaphore_mem>>
        %dma_start3A_128 = tpu.memref_slice %arg3[%mul3A_123] : memref<320000xi32, #tpu.memory_space<hbm>> -> memref<128xi32, #tpu.memory_space<hbm>>
        %dma_start3A_129 = tpu.memref_slice %arg3[%mul3A_123] : memref<320000xi32, #tpu.memory_space<hbm>> -> memref<128xi32, #tpu.memory_space<hbm>>
        tpu.enqueue_dma source(%dma_start3A_129 : memref<128xi32, #tpu.memory_space<hbm>>) target(%arg11 : memref<128xi32, #tpu.memory_space<vmem>>) target_semaphore(%run_scoped3A : memref<!tpu.dma_semaphore, #tpu.memory_space<semaphore_mem>>)
        %dma_wait3A_130 = tpu.memref_slice %arg3[%mul3A_123] : memref<320000xi32, #tpu.memory_space<hbm>> -> memref<128xi32, #tpu.memory_space<hbm>>
        %dma_wait3A_131 = tpu.memref_slice %arg3[%mul3A_123] : memref<320000xi32, #tpu.memory_space<hbm>> -> memref<128xi32, #tpu.memory_space<hbm>>
        tpu.wait_dma2 semaphore(%run_scoped3A : memref<!tpu.dma_semaphore, #tpu.memory_space<semaphore_mem>>) src(%dma_wait3A_131 : memref<128xi32, #tpu.memory_space<hbm>>) dst(%arg11 : memref<128xi32, #tpu.memory_space<vmem>>)
        tpu.yield
      }) : () -> ()
      "tpu.region"() ({
        %run_scoped3A = tpu.sem_alloc : memref<!tpu.dma_semaphore, #tpu.memory_space<semaphore_mem>>
        %dma_start3A_128 = tpu.memref_slice %arg4[%mul3A_123] : memref<320000xi32, #tpu.memory_space<hbm>> -> memref<128xi32, #tpu.memory_space<hbm>>
        %dma_start3A_129 = tpu.memref_slice %arg4[%mul3A_123] : memref<320000xi32, #tpu.memory_space<hbm>> -> memref<128xi32, #tpu.memory_space<hbm>>
        tpu.enqueue_dma source(%dma_start3A_129 : memref<128xi32, #tpu.memory_space<hbm>>) target(%arg12 : memref<128xi32, #tpu.memory_space<vmem>>) target_semaphore(%run_scoped3A : memref<!tpu.dma_semaphore, #tpu.memory_space<semaphore_mem>>)
        %dma_wait3A_130 = tpu.memref_slice %arg4[%mul3A_123] : memref<320000xi32, #tpu.memory_space<hbm>> -> memref<128xi32, #tpu.memory_space<hbm>>
        %dma_wait3A_131 = tpu.memref_slice %arg4[%mul3A_123] : memref<320000xi32, #tpu.memory_space<hbm>> -> memref<128xi32, #tpu.memory_space<hbm>>
        tpu.wait_dma2 semaphore(%run_scoped3A : memref<!tpu.dma_semaphore, #tpu.memory_space<semaphore_mem>>) src(%dma_wait3A_131 : memref<128xi32, #tpu.memory_space<hbm>>) dst(%arg12 : memref<128xi32, #tpu.memory_space<vmem>>)
        tpu.yield
      }) : () -> ()
      %dma_start3A = arith.constant 0 : i32
      %dma_start3A_124 = arith.constant 0 : i32
      %dma_start3A_125 = tpu.memref_slice %arg2[%dma_start3A, %dma_start3A_124] : memref<10000x128xf32, #tpu.memory_space<hbm>> -> memref<10000x128xf32, #tpu.memory_space<hbm>>
      tpu.enqueue_indirect_dma source(%dma_start3A_125 : memref<10000x128xf32, #tpu.memory_space<hbm>>) target(%arg13 : memref<128x128xf32, #tpu.memory_space<vmem>>) offsets(%arg11 : memref<128xi32, #tpu.memory_space<vmem>>) semaphore(%arg14 : memref<!tpu.dma_semaphore, #tpu.memory_space<semaphore_mem>>)
      %dma_wait3A = arith.constant 0 : i32
      %dma_wait3A_126 = arith.constant 0 : i32
      %dma_wait3A_127 = tpu.memref_slice %arg2[%dma_wait3A, %dma_wait3A_126] : memref<10000x128xf32, #tpu.memory_space<hbm>> -> memref<10000x128xf32, #tpu.memory_space<hbm>>
      tpu.wait_indirect_dma semaphore(%arg14 : memref<!tpu.dma_semaphore, #tpu.memory_space<semaphore_mem>>) src(%dma_wait3A_127 : memref<10000x128xf32, #tpu.memory_space<hbm>>) dst(%arg13 : memref<128x128xf32, #tpu.memory_space<vmem>>)
      "tpu.region"() ({
        %run_scoped3A = tpu.sem_alloc : memref<!tpu.dma_semaphore, #tpu.memory_space<semaphore_mem>>
        %dma_start3A_128 = arith.constant 0 : i32
        %dma_start3A_129 = arith.constant 0 : i32
        %dma_start3A_130 = tpu.memref_slice %arg10[%dma_start3A_128, %dma_start3A_129] : memref<10240x128xf32, #tpu.memory_space<vmem_shared>> -> memref<10240x128xf32, #tpu.memory_space<vmem_shared>>
        tpu.enqueue_indirect_dma source(%arg13 : memref<128x128xf32, #tpu.memory_space<vmem>>) target(%dma_start3A_130 : memref<10240x128xf32, #tpu.memory_space<vmem_shared>>) offsets(%arg12 : memref<128xi32, #tpu.memory_space<vmem>>) semaphore(%run_scoped3A : memref<!tpu.dma_semaphore, #tpu.memory_space<semaphore_mem>>) {add = true}
        %dma_wait3A_131 = arith.constant 0 : i32
        %dma_wait3A_132 = arith.constant 0 : i32
        %dma_wait3A_133 = tpu.memref_slice %arg10[%dma_wait3A_131, %dma_wait3A_132] : memref<10240x128xf32, #tpu.memory_space<vmem_shared>> -> memref<10240x128xf32, #tpu.memory_space<vmem_shared>>
        tpu.wait_indirect_dma semaphore(%run_scoped3A : memref<!tpu.dma_semaphore, #tpu.memory_space<semaphore_mem>>) src(%arg13 : memref<128x128xf32, #tpu.memory_space<vmem>>) dst(%dma_wait3A_133 : memref<10240x128xf32, #tpu.memory_space<vmem_shared>>)
        tpu.yield
      }) : () -> ()
      "tpu.region"() ({
        %run_scoped3A = tpu.sem_alloc : memref<!tpu.dma_semaphore, #tpu.memory_space<semaphore_mem>>
        %dma_start3A_128 = arith.constant 0 : i32
        %dma_start3A_129 = tpu.memref_slice %arg15[%dma_start3A_128] : memref<10240xf32, #tpu.memory_space<vmem_shared>> -> memref<10240xf32, #tpu.memory_space<vmem_shared>>
        tpu.enqueue_indirect_dma source(%arg16 : memref<128xf32, #tpu.memory_space<vmem>>) target(%dma_start3A_129 : memref<10240xf32, #tpu.memory_space<vmem_shared>>) offsets(%arg12 : memref<128xi32, #tpu.memory_space<vmem>>) semaphore(%run_scoped3A : memref<!tpu.dma_semaphore, #tpu.memory_space<semaphore_mem>>) {add = true}
        %dma_wait3A_130 = arith.constant 0 : i32
        %dma_wait3A_131 = tpu.memref_slice %arg15[%dma_wait3A_130] : memref<10240xf32, #tpu.memory_space<vmem_shared>> -> memref<10240xf32, #tpu.memory_space<vmem_shared>>
        tpu.wait_indirect_dma semaphore(%run_scoped3A : memref<!tpu.dma_semaphore, #tpu.memory_space<semaphore_mem>>) src(%arg16 : memref<128xf32, #tpu.memory_space<vmem>>) dst(%dma_wait3A_131 : memref<10240xf32, #tpu.memory_space<vmem_shared>>)
        tpu.yield
      }) : () -> ()
    }
    %while3A_76 = arith.constant 1 : i32
    scf.for %while3A_121 = %while3A_74 to %while3A_70 step %while3A_76  : i32 {
      %mul3A_122 = arith.constant 128 : i32
      %mul3A_123 = arith.muli %while3A_121, %mul3A_122 : i32
      "tpu.region"() ({
        %run_scoped3A = tpu.sem_alloc : memref<!tpu.dma_semaphore, #tpu.memory_space<semaphore_mem>>
        %dma_start3A_128 = tpu.memref_slice %arg3[%mul3A_123] : memref<320000xi32, #tpu.memory_space<hbm>> -> memref<128xi32, #tpu.memory_space<hbm>>
        %dma_start3A_129 = tpu.memref_slice %arg3[%mul3A_123] : memref<320000xi32, #tpu.memory_space<hbm>> -> memref<128xi32, #tpu.memory_space<hbm>>
        tpu.enqueue_dma source(%dma_start3A_129 : memref<128xi32, #tpu.memory_space<hbm>>) target(%arg11 : memref<128xi32, #tpu.memory_space<vmem>>) target_semaphore(%run_scoped3A : memref<!tpu.dma_semaphore, #tpu.memory_space<semaphore_mem>>)
        %dma_wait3A_130 = tpu.memref_slice %arg3[%mul3A_123] : memref<320000xi32, #tpu.memory_space<hbm>> -> memref<128xi32, #tpu.memory_space<hbm>>
        %dma_wait3A_131 = tpu.memref_slice %arg3[%mul3A_123] : memref<320000xi32, #tpu.memory_space<hbm>> -> memref<128xi32, #tpu.memory_space<hbm>>
        tpu.wait_dma2 semaphore(%run_scoped3A : memref<!tpu.dma_semaphore, #tpu.memory_space<semaphore_mem>>) src(%dma_wait3A_131 : memref<128xi32, #tpu.memory_space<hbm>>) dst(%arg11 : memref<128xi32, #tpu.memory_space<vmem>>)
        tpu.yield
      }) : () -> ()
      "tpu.region"() ({
        %run_scoped3A = tpu.sem_alloc : memref<!tpu.dma_semaphore, #tpu.memory_space<semaphore_mem>>
        %dma_start3A_128 = tpu.memref_slice %arg4[%mul3A_123] : memref<320000xi32, #tpu.memory_space<hbm>> -> memref<128xi32, #tpu.memory_space<hbm>>
        %dma_start3A_129 = tpu.memref_slice %arg4[%mul3A_123] : memref<320000xi32, #tpu.memory_space<hbm>> -> memref<128xi32, #tpu.memory_space<hbm>>
        tpu.enqueue_dma source(%dma_start3A_129 : memref<128xi32, #tpu.memory_space<hbm>>) target(%arg12 : memref<128xi32, #tpu.memory_space<vmem>>) target_semaphore(%run_scoped3A : memref<!tpu.dma_semaphore, #tpu.memory_space<semaphore_mem>>)
        %dma_wait3A_130 = tpu.memref_slice %arg4[%mul3A_123] : memref<320000xi32, #tpu.memory_space<hbm>> -> memref<128xi32, #tpu.memory_space<hbm>>
        %dma_wait3A_131 = tpu.memref_slice %arg4[%mul3A_123] : memref<320000xi32, #tpu.memory_space<hbm>> -> memref<128xi32, #tpu.memory_space<hbm>>
        tpu.wait_dma2 semaphore(%run_scoped3A : memref<!tpu.dma_semaphore, #tpu.memory_space<semaphore_mem>>) src(%dma_wait3A_131 : memref<128xi32, #tpu.memory_space<hbm>>) dst(%arg12 : memref<128xi32, #tpu.memory_space<vmem>>)
        tpu.yield
      }) : () -> ()
      %dma_start3A = arith.constant 0 : i32
      %dma_start3A_124 = arith.constant 0 : i32
      %dma_start3A_125 = tpu.memref_slice %arg2[%dma_start3A, %dma_start3A_124] : memref<10000x128xf32, #tpu.memory_space<hbm>> -> memref<10000x128xf32, #tpu.memory_space<hbm>>
      tpu.enqueue_indirect_dma source(%dma_start3A_125 : memref<10000x128xf32, #tpu.memory_space<hbm>>) target(%arg13 : memref<128x128xf32, #tpu.memory_space<vmem>>) offsets(%arg11 : memref<128xi32, #tpu.memory_space<vmem>>) semaphore(%arg14 : memref<!tpu.dma_semaphore, #tpu.memory_space<semaphore_mem>>)
      %dma_wait3A = arith.constant 0 : i32
      %dma_wait3A_126 = arith.constant 0 : i32
      %dma_wait3A_127 = tpu.memref_slice %arg2[%dma_wait3A, %dma_wait3A_126] : memref<10000x128xf32, #tpu.memory_space<hbm>> -> memref<10000x128xf32, #tpu.memory_space<hbm>>
      tpu.wait_indirect_dma semaphore(%arg14 : memref<!tpu.dma_semaphore, #tpu.memory_space<semaphore_mem>>) src(%dma_wait3A_127 : memref<10000x128xf32, #tpu.memory_space<hbm>>) dst(%arg13 : memref<128x128xf32, #tpu.memory_space<vmem>>)
      "tpu.region"() ({
        %run_scoped3A = tpu.sem_alloc : memref<!tpu.dma_semaphore, #tpu.memory_space<semaphore_mem>>
        %dma_start3A_128 = arith.constant 0 : i32
        %dma_start3A_129 = arith.constant 0 : i32
        %dma_start3A_130 = tpu.memref_slice %arg10[%dma_start3A_128, %dma_start3A_129] : memref<10240x128xf32, #tpu.memory_space<vmem_shared>> -> memref<10240x128xf32, #tpu.memory_space<vmem_shared>>
        tpu.enqueue_indirect_dma source(%arg13 : memref<128x128xf32, #tpu.memory_space<vmem>>) target(%dma_start3A_130 : memref<10240x128xf32, #tpu.memory_space<vmem_shared>>) offsets(%arg12 : memref<128xi32, #tpu.memory_space<vmem>>) semaphore(%run_scoped3A : memref<!tpu.dma_semaphore, #tpu.memory_space<semaphore_mem>>) {add = true}
        %dma_wait3A_131 = arith.constant 0 : i32
        %dma_wait3A_132 = arith.constant 0 : i32
        %dma_wait3A_133 = tpu.memref_slice %arg10[%dma_wait3A_131, %dma_wait3A_132] : memref<10240x128xf32, #tpu.memory_space<vmem_shared>> -> memref<10240x128xf32, #tpu.memory_space<vmem_shared>>
        tpu.wait_indirect_dma semaphore(%run_scoped3A : memref<!tpu.dma_semaphore, #tpu.memory_space<semaphore_mem>>) src(%arg13 : memref<128x128xf32, #tpu.memory_space<vmem>>) dst(%dma_wait3A_133 : memref<10240x128xf32, #tpu.memory_space<vmem_shared>>)
        tpu.yield
      }) : () -> ()
      "tpu.region"() ({
        %run_scoped3A = tpu.sem_alloc : memref<!tpu.dma_semaphore, #tpu.memory_space<semaphore_mem>>
        %dma_start3A_128 = arith.constant 0 : i32
        %dma_start3A_129 = tpu.memref_slice %arg15[%dma_start3A_128] : memref<10240xf32, #tpu.memory_space<vmem_shared>> -> memref<10240xf32, #tpu.memory_space<vmem_shared>>
        tpu.enqueue_indirect_dma source(%arg16 : memref<128xf32, #tpu.memory_space<vmem>>) target(%dma_start3A_129 : memref<10240xf32, #tpu.memory_space<vmem_shared>>) offsets(%arg12 : memref<128xi32, #tpu.memory_space<vmem>>) semaphore(%run_scoped3A : memref<!tpu.dma_semaphore, #tpu.memory_space<semaphore_mem>>) {add = true}
        %dma_wait3A_130 = arith.constant 0 : i32
        %dma_wait3A_131 = tpu.memref_slice %arg15[%dma_wait3A_130] : memref<10240xf32, #tpu.memory_space<vmem_shared>> -> memref<10240xf32, #tpu.memory_space<vmem_shared>>
        tpu.wait_indirect_dma semaphore(%run_scoped3A : memref<!tpu.dma_semaphore, #tpu.memory_space<semaphore_mem>>) src(%arg16 : memref<128xf32, #tpu.memory_space<vmem>>) dst(%dma_wait3A_131 : memref<10240xf32, #tpu.memory_space<vmem_shared>>)
        tpu.yield
      }) : () -> ()
    }
    %barrier3A_77 = arith.constant 0 : index
    tpu.barrier barrier_id(%barrier3A_77)
    %mul3A_78 = arith.constant 10240 : i32
    %mul3A_79 = arith.muli %arg0, %mul3A_78 : i32
    %add3A_80 = arith.addi %mul3A_79, %mul3A_2 : i32
    %add3A_81 = arith.constant 0 : i32
    %add3A_82 = arith.addi %mul3A_2, %add3A_81 : i32
    "tpu.region"() ({
      %run_scoped3A = tpu.sem_alloc : memref<!tpu.dma_semaphore, #tpu.memory_space<semaphore_mem>>
      %dma_start3A = arith.constant 0 : i32
      %dma_start3A_121 = tpu.memref_slice %arg10[%add3A_82, %dma_start3A] : memref<10240x128xf32, #tpu.memory_space<vmem_shared>> -> memref<128x128xf32, #tpu.memory_space<vmem_shared>>
      %dma_start3A_122 = arith.constant 0 : i32
      %dma_start3A_123 = tpu.memref_slice %arg10[%add3A_82, %dma_start3A_122] : memref<10240x128xf32, #tpu.memory_space<vmem_shared>> -> memref<128x128xf32, #tpu.memory_space<vmem_shared>>
      tpu.enqueue_dma source(%dma_start3A_123 : memref<128x128xf32, #tpu.memory_space<vmem_shared>>) target(%arg13 : memref<128x128xf32, #tpu.memory_space<vmem>>) target_semaphore(%run_scoped3A : memref<!tpu.dma_semaphore, #tpu.memory_space<semaphore_mem>>)
      %dma_wait3A = arith.constant 0 : i32
      %dma_wait3A_124 = tpu.memref_slice %arg10[%add3A_82, %dma_wait3A] : memref<10240x128xf32, #tpu.memory_space<vmem_shared>> -> memref<128x128xf32, #tpu.memory_space<vmem_shared>>
      %dma_wait3A_125 = arith.constant 0 : i32
      %dma_wait3A_126 = tpu.memref_slice %arg10[%add3A_82, %dma_wait3A_125] : memref<10240x128xf32, #tpu.memory_space<vmem_shared>> -> memref<128x128xf32, #tpu.memory_space<vmem_shared>>
      tpu.wait_dma2 semaphore(%run_scoped3A : memref<!tpu.dma_semaphore, #tpu.memory_space<semaphore_mem>>) src(%dma_wait3A_126 : memref<128x128xf32, #tpu.memory_space<vmem_shared>>) dst(%arg13 : memref<128x128xf32, #tpu.memory_space<vmem>>)
      tpu.yield
    }) : () -> ()
    %add3A_83 = arith.constant 0 : i32
    %add3A_84 = arith.addi %add3A_80, %add3A_83 : i32
    "tpu.region"() ({
      %run_scoped3A = tpu.sem_alloc : memref<!tpu.dma_semaphore, #tpu.memory_space<semaphore_mem>>
      %dma_start3A = arith.constant 0 : i32
      %dma_start3A_121 = tpu.memref_slice %arg8[%add3A_84, %dma_start3A] : memref<20480x128xf32, #tpu.memory_space<hbm>> -> memref<128x128xf32, #tpu.memory_space<hbm>>
      %dma_start3A_122 = arith.constant 0 : i32
      %dma_start3A_123 = tpu.memref_slice %arg8[%add3A_84, %dma_start3A_122] : memref<20480x128xf32, #tpu.memory_space<hbm>> -> memref<128x128xf32, #tpu.memory_space<hbm>>
      tpu.enqueue_dma source(%arg13 : memref<128x128xf32, #tpu.memory_space<vmem>>) target(%dma_start3A_123 : memref<128x128xf32, #tpu.memory_space<hbm>>) target_semaphore(%run_scoped3A : memref<!tpu.dma_semaphore, #tpu.memory_space<semaphore_mem>>)
      %dma_wait3A = arith.constant 0 : i32
      %dma_wait3A_124 = tpu.memref_slice %arg8[%add3A_84, %dma_wait3A] : memref<20480x128xf32, #tpu.memory_space<hbm>> -> memref<128x128xf32, #tpu.memory_space<hbm>>
      %dma_wait3A_125 = arith.constant 0 : i32
      %dma_wait3A_126 = tpu.memref_slice %arg8[%add3A_84, %dma_wait3A_125] : memref<20480x128xf32, #tpu.memory_space<hbm>> -> memref<128x128xf32, #tpu.memory_space<hbm>>
      tpu.wait_dma2 semaphore(%run_scoped3A : memref<!tpu.dma_semaphore, #tpu.memory_space<semaphore_mem>>) src(%arg13 : memref<128x128xf32, #tpu.memory_space<vmem>>) dst(%dma_wait3A_126 : memref<128x128xf32, #tpu.memory_space<hbm>>)
      tpu.yield
    }) : () -> ()
    %add3A_85 = arith.constant 0 : i32
    %add3A_86 = arith.addi %mul3A_2, %add3A_85 : i32
    "tpu.region"() ({
      %run_scoped3A = tpu.sem_alloc : memref<!tpu.dma_semaphore, #tpu.memory_space<semaphore_mem>>
      %dma_start3A = tpu.memref_slice %arg15[%add3A_86] : memref<10240xf32, #tpu.memory_space<vmem_shared>> -> memref<128xf32, #tpu.memory_space<vmem_shared>>
      %dma_start3A_121 = tpu.memref_slice %arg15[%add3A_86] : memref<10240xf32, #tpu.memory_space<vmem_shared>> -> memref<128xf32, #tpu.memory_space<vmem_shared>>
      tpu.enqueue_dma source(%dma_start3A_121 : memref<128xf32, #tpu.memory_space<vmem_shared>>) target(%arg17 : memref<128xf32, #tpu.memory_space<vmem>>) target_semaphore(%run_scoped3A : memref<!tpu.dma_semaphore, #tpu.memory_space<semaphore_mem>>)
      %dma_wait3A = tpu.memref_slice %arg15[%add3A_86] : memref<10240xf32, #tpu.memory_space<vmem_shared>> -> memref<128xf32, #tpu.memory_space<vmem_shared>>
      %dma_wait3A_122 = tpu.memref_slice %arg15[%add3A_86] : memref<10240xf32, #tpu.memory_space<vmem_shared>> -> memref<128xf32, #tpu.memory_space<vmem_shared>>
      tpu.wait_dma2 semaphore(%run_scoped3A : memref<!tpu.dma_semaphore, #tpu.memory_space<semaphore_mem>>) src(%dma_wait3A_122 : memref<128xf32, #tpu.memory_space<vmem_shared>>) dst(%arg17 : memref<128xf32, #tpu.memory_space<vmem>>)
      tpu.yield
    }) : () -> ()
    %add3A_87 = arith.constant 0 : i32
    %add3A_88 = arith.addi %add3A_80, %add3A_87 : i32
    "tpu.region"() ({
      %run_scoped3A = tpu.sem_alloc : memref<!tpu.dma_semaphore, #tpu.memory_space<semaphore_mem>>
      %dma_start3A = tpu.memref_slice %arg9[%add3A_88] : memref<20480xf32, #tpu.memory_space<hbm>> -> memref<128xf32, #tpu.memory_space<hbm>>
      %dma_start3A_121 = tpu.memref_slice %arg9[%add3A_88] : memref<20480xf32, #tpu.memory_space<hbm>> -> memref<128xf32, #tpu.memory_space<hbm>>
      tpu.enqueue_dma source(%arg17 : memref<128xf32, #tpu.memory_space<vmem>>) target(%dma_start3A_121 : memref<128xf32, #tpu.memory_space<hbm>>) target_semaphore(%run_scoped3A : memref<!tpu.dma_semaphore, #tpu.memory_space<semaphore_mem>>)
      %dma_wait3A = tpu.memref_slice %arg9[%add3A_88] : memref<20480xf32, #tpu.memory_space<hbm>> -> memref<128xf32, #tpu.memory_space<hbm>>
      %dma_wait3A_122 = tpu.memref_slice %arg9[%add3A_88] : memref<20480xf32, #tpu.memory_space<hbm>> -> memref<128xf32, #tpu.memory_space<hbm>>
      tpu.wait_dma2 semaphore(%run_scoped3A : memref<!tpu.dma_semaphore, #tpu.memory_space<semaphore_mem>>) src(%arg17 : memref<128xf32, #tpu.memory_space<vmem>>) dst(%dma_wait3A_122 : memref<128xf32, #tpu.memory_space<hbm>>)
      tpu.yield
    }) : () -> ()
    %add3A_89 = arith.constant 128 : i32
    %add3A_90 = arith.addi %mul3A_2, %add3A_89 : i32
    "tpu.region"() ({
      %run_scoped3A = tpu.sem_alloc : memref<!tpu.dma_semaphore, #tpu.memory_space<semaphore_mem>>
      %dma_start3A = arith.constant 0 : i32
      %dma_start3A_121 = tpu.memref_slice %arg10[%add3A_90, %dma_start3A] : memref<10240x128xf32, #tpu.memory_space<vmem_shared>> -> memref<128x128xf32, #tpu.memory_space<vmem_shared>>
      %dma_start3A_122 = arith.constant 0 : i32
      %dma_start3A_123 = tpu.memref_slice %arg10[%add3A_90, %dma_start3A_122] : memref<10240x128xf32, #tpu.memory_space<vmem_shared>> -> memref<128x128xf32, #tpu.memory_space<vmem_shared>>
      tpu.enqueue_dma source(%dma_start3A_123 : memref<128x128xf32, #tpu.memory_space<vmem_shared>>) target(%arg13 : memref<128x128xf32, #tpu.memory_space<vmem>>) target_semaphore(%run_scoped3A : memref<!tpu.dma_semaphore, #tpu.memory_space<semaphore_mem>>)
      %dma_wait3A = arith.constant 0 : i32
      %dma_wait3A_124 = tpu.memref_slice %arg10[%add3A_90, %dma_wait3A] : memref<10240x128xf32, #tpu.memory_space<vmem_shared>> -> memref<128x128xf32, #tpu.memory_space<vmem_shared>>
      %dma_wait3A_125 = arith.constant 0 : i32
      %dma_wait3A_126 = tpu.memref_slice %arg10[%add3A_90, %dma_wait3A_125] : memref<10240x128xf32, #tpu.memory_space<vmem_shared>> -> memref<128x128xf32, #tpu.memory_space<vmem_shared>>
      tpu.wait_dma2 semaphore(%run_scoped3A : memref<!tpu.dma_semaphore, #tpu.memory_space<semaphore_mem>>) src(%dma_wait3A_126 : memref<128x128xf32, #tpu.memory_space<vmem_shared>>) dst(%arg13 : memref<128x128xf32, #tpu.memory_space<vmem>>)
      tpu.yield
    }) : () -> ()
    %add3A_91 = arith.constant 128 : i32
    %add3A_92 = arith.addi %add3A_80, %add3A_91 : i32
    "tpu.region"() ({
      %run_scoped3A = tpu.sem_alloc : memref<!tpu.dma_semaphore, #tpu.memory_space<semaphore_mem>>
      %dma_start3A = arith.constant 0 : i32
      %dma_start3A_121 = tpu.memref_slice %arg8[%add3A_92, %dma_start3A] : memref<20480x128xf32, #tpu.memory_space<hbm>> -> memref<128x128xf32, #tpu.memory_space<hbm>>
      %dma_start3A_122 = arith.constant 0 : i32
      %dma_start3A_123 = tpu.memref_slice %arg8[%add3A_92, %dma_start3A_122] : memref<20480x128xf32, #tpu.memory_space<hbm>> -> memref<128x128xf32, #tpu.memory_space<hbm>>
      tpu.enqueue_dma source(%arg13 : memref<128x128xf32, #tpu.memory_space<vmem>>) target(%dma_start3A_123 : memref<128x128xf32, #tpu.memory_space<hbm>>) target_semaphore(%run_scoped3A : memref<!tpu.dma_semaphore, #tpu.memory_space<semaphore_mem>>)
      %dma_wait3A = arith.constant 0 : i32
      %dma_wait3A_124 = tpu.memref_slice %arg8[%add3A_92, %dma_wait3A] : memref<20480x128xf32, #tpu.memory_space<hbm>> -> memref<128x128xf32, #tpu.memory_space<hbm>>
      %dma_wait3A_125 = arith.constant 0 : i32
      %dma_wait3A_126 = tpu.memref_slice %arg8[%add3A_92, %dma_wait3A_125] : memref<20480x128xf32, #tpu.memory_space<hbm>> -> memref<128x128xf32, #tpu.memory_space<hbm>>
      tpu.wait_dma2 semaphore(%run_scoped3A : memref<!tpu.dma_semaphore, #tpu.memory_space<semaphore_mem>>) src(%arg13 : memref<128x128xf32, #tpu.memory_space<vmem>>) dst(%dma_wait3A_126 : memref<128x128xf32, #tpu.memory_space<hbm>>)
      tpu.yield
    }) : () -> ()
    %add3A_93 = arith.constant 128 : i32
    %add3A_94 = arith.addi %mul3A_2, %add3A_93 : i32
    "tpu.region"() ({
      %run_scoped3A = tpu.sem_alloc : memref<!tpu.dma_semaphore, #tpu.memory_space<semaphore_mem>>
      %dma_start3A = tpu.memref_slice %arg15[%add3A_94] : memref<10240xf32, #tpu.memory_space<vmem_shared>> -> memref<128xf32, #tpu.memory_space<vmem_shared>>
      %dma_start3A_121 = tpu.memref_slice %arg15[%add3A_94] : memref<10240xf32, #tpu.memory_space<vmem_shared>> -> memref<128xf32, #tpu.memory_space<vmem_shared>>
      tpu.enqueue_dma source(%dma_start3A_121 : memref<128xf32, #tpu.memory_space<vmem_shared>>) target(%arg17 : memref<128xf32, #tpu.memory_space<vmem>>) target_semaphore(%run_scoped3A : memref<!tpu.dma_semaphore, #tpu.memory_space<semaphore_mem>>)
      %dma_wait3A = tpu.memref_slice %arg15[%add3A_94] : memref<10240xf32, #tpu.memory_space<vmem_shared>> -> memref<128xf32, #tpu.memory_space<vmem_shared>>
      %dma_wait3A_122 = tpu.memref_slice %arg15[%add3A_94] : memref<10240xf32, #tpu.memory_space<vmem_shared>> -> memref<128xf32, #tpu.memory_space<vmem_shared>>
      tpu.wait_dma2 semaphore(%run_scoped3A : memref<!tpu.dma_semaphore, #tpu.memory_space<semaphore_mem>>) src(%dma_wait3A_122 : memref<128xf32, #tpu.memory_space<vmem_shared>>) dst(%arg17 : memref<128xf32, #tpu.memory_space<vmem>>)
      tpu.yield
    }) : () -> ()
    %add3A_95 = arith.constant 128 : i32
    %add3A_96 = arith.addi %add3A_80, %add3A_95 : i32
    "tpu.region"() ({
      %run_scoped3A = tpu.sem_alloc : memref<!tpu.dma_semaphore, #tpu.memory_space<semaphore_mem>>
      %dma_start3A = tpu.memref_slice %arg9[%add3A_96] : memref<20480xf32, #tpu.memory_space<hbm>> -> memref<128xf32, #tpu.memory_space<hbm>>
      %dma_start3A_121 = tpu.memref_slice %arg9[%add3A_96] : memref<20480xf32, #tpu.memory_space<hbm>> -> memref<128xf32, #tpu.memory_space<hbm>>
      tpu.enqueue_dma source(%arg17 : memref<128xf32, #tpu.memory_space<vmem>>) target(%dma_start3A_121 : memref<128xf32, #tpu.memory_space<hbm>>) target_semaphore(%run_scoped3A : memref<!tpu.dma_semaphore, #tpu.memory_space<semaphore_mem>>)
      %dma_wait3A = tpu.memref_slice %arg9[%add3A_96] : memref<20480xf32, #tpu.memory_space<hbm>> -> memref<128xf32, #tpu.memory_space<hbm>>
      %dma_wait3A_122 = tpu.memref_slice %arg9[%add3A_96] : memref<20480xf32, #tpu.memory_space<hbm>> -> memref<128xf32, #tpu.memory_space<hbm>>
      tpu.wait_dma2 semaphore(%run_scoped3A : memref<!tpu.dma_semaphore, #tpu.memory_space<semaphore_mem>>) src(%arg17 : memref<128xf32, #tpu.memory_space<vmem>>) dst(%dma_wait3A_122 : memref<128xf32, #tpu.memory_space<hbm>>)
      tpu.yield
    }) : () -> ()
    %add3A_97 = arith.constant 256 : i32
    %add3A_98 = arith.addi %mul3A_2, %add3A_97 : i32
    "tpu.region"() ({
      %run_scoped3A = tpu.sem_alloc : memref<!tpu.dma_semaphore, #tpu.memory_space<semaphore_mem>>
      %dma_start3A = arith.constant 0 : i32
      %dma_start3A_121 = tpu.memref_slice %arg10[%add3A_98, %dma_start3A] : memref<10240x128xf32, #tpu.memory_space<vmem_shared>> -> memref<128x128xf32, #tpu.memory_space<vmem_shared>>
      %dma_start3A_122 = arith.constant 0 : i32
      %dma_start3A_123 = tpu.memref_slice %arg10[%add3A_98, %dma_start3A_122] : memref<10240x128xf32, #tpu.memory_space<vmem_shared>> -> memref<128x128xf32, #tpu.memory_space<vmem_shared>>
      tpu.enqueue_dma source(%dma_start3A_123 : memref<128x128xf32, #tpu.memory_space<vmem_shared>>) target(%arg13 : memref<128x128xf32, #tpu.memory_space<vmem>>) target_semaphore(%run_scoped3A : memref<!tpu.dma_semaphore, #tpu.memory_space<semaphore_mem>>)
      %dma_wait3A = arith.constant 0 : i32
      %dma_wait3A_124 = tpu.memref_slice %arg10[%add3A_98, %dma_wait3A] : memref<10240x128xf32, #tpu.memory_space<vmem_shared>> -> memref<128x128xf32, #tpu.memory_space<vmem_shared>>
      %dma_wait3A_125 = arith.constant 0 : i32
      %dma_wait3A_126 = tpu.memref_slice %arg10[%add3A_98, %dma_wait3A_125] : memref<10240x128xf32, #tpu.memory_space<vmem_shared>> -> memref<128x128xf32, #tpu.memory_space<vmem_shared>>
      tpu.wait_dma2 semaphore(%run_scoped3A : memref<!tpu.dma_semaphore, #tpu.memory_space<semaphore_mem>>) src(%dma_wait3A_126 : memref<128x128xf32, #tpu.memory_space<vmem_shared>>) dst(%arg13 : memref<128x128xf32, #tpu.memory_space<vmem>>)
      tpu.yield
    }) : () -> ()
    %add3A_99 = arith.constant 256 : i32
    %add3A_100 = arith.addi %add3A_80, %add3A_99 : i32
    "tpu.region"() ({
      %run_scoped3A = tpu.sem_alloc : memref<!tpu.dma_semaphore, #tpu.memory_space<semaphore_mem>>
      %dma_start3A = arith.constant 0 : i32
      %dma_start3A_121 = tpu.memref_slice %arg8[%add3A_100, %dma_start3A] : memref<20480x128xf32, #tpu.memory_space<hbm>> -> memref<128x128xf32, #tpu.memory_space<hbm>>
      %dma_start3A_122 = arith.constant 0 : i32
      %dma_start3A_123 = tpu.memref_slice %arg8[%add3A_100, %dma_start3A_122] : memref<20480x128xf32, #tpu.memory_space<hbm>> -> memref<128x128xf32, #tpu.memory_space<hbm>>
      tpu.enqueue_dma source(%arg13 : memref<128x128xf32, #tpu.memory_space<vmem>>) target(%dma_start3A_123 : memref<128x128xf32, #tpu.memory_space<hbm>>) target_semaphore(%run_scoped3A : memref<!tpu.dma_semaphore, #tpu.memory_space<semaphore_mem>>)
      %dma_wait3A = arith.constant 0 : i32
      %dma_wait3A_124 = tpu.memref_slice %arg8[%add3A_100, %dma_wait3A] : memref<20480x128xf32, #tpu.memory_space<hbm>> -> memref<128x128xf32, #tpu.memory_space<hbm>>
      %dma_wait3A_125 = arith.constant 0 : i32
      %dma_wait3A_126 = tpu.memref_slice %arg8[%add3A_100, %dma_wait3A_125] : memref<20480x128xf32, #tpu.memory_space<hbm>> -> memref<128x128xf32, #tpu.memory_space<hbm>>
      tpu.wait_dma2 semaphore(%run_scoped3A : memref<!tpu.dma_semaphore, #tpu.memory_space<semaphore_mem>>) src(%arg13 : memref<128x128xf32, #tpu.memory_space<vmem>>) dst(%dma_wait3A_126 : memref<128x128xf32, #tpu.memory_space<hbm>>)
      tpu.yield
    }) : () -> ()
    %add3A_101 = arith.constant 256 : i32
    %add3A_102 = arith.addi %mul3A_2, %add3A_101 : i32
    "tpu.region"() ({
      %run_scoped3A = tpu.sem_alloc : memref<!tpu.dma_semaphore, #tpu.memory_space<semaphore_mem>>
      %dma_start3A = tpu.memref_slice %arg15[%add3A_102] : memref<10240xf32, #tpu.memory_space<vmem_shared>> -> memref<128xf32, #tpu.memory_space<vmem_shared>>
      %dma_start3A_121 = tpu.memref_slice %arg15[%add3A_102] : memref<10240xf32, #tpu.memory_space<vmem_shared>> -> memref<128xf32, #tpu.memory_space<vmem_shared>>
      tpu.enqueue_dma source(%dma_start3A_121 : memref<128xf32, #tpu.memory_space<vmem_shared>>) target(%arg17 : memref<128xf32, #tpu.memory_space<vmem>>) target_semaphore(%run_scoped3A : memref<!tpu.dma_semaphore, #tpu.memory_space<semaphore_mem>>)
      %dma_wait3A = tpu.memref_slice %arg15[%add3A_102] : memref<10240xf32, #tpu.memory_space<vmem_shared>> -> memref<128xf32, #tpu.memory_space<vmem_shared>>
      %dma_wait3A_122 = tpu.memref_slice %arg15[%add3A_102] : memref<10240xf32, #tpu.memory_space<vmem_shared>> -> memref<128xf32, #tpu.memory_space<vmem_shared>>
      tpu.wait_dma2 semaphore(%run_scoped3A : memref<!tpu.dma_semaphore, #tpu.memory_space<semaphore_mem>>) src(%dma_wait3A_122 : memref<128xf32, #tpu.memory_space<vmem_shared>>) dst(%arg17 : memref<128xf32, #tpu.memory_space<vmem>>)
      tpu.yield
    }) : () -> ()
    %add3A_103 = arith.constant 256 : i32
    %add3A_104 = arith.addi %add3A_80, %add3A_103 : i32
    "tpu.region"() ({
      %run_scoped3A = tpu.sem_alloc : memref<!tpu.dma_semaphore, #tpu.memory_space<semaphore_mem>>
      %dma_start3A = tpu.memref_slice %arg9[%add3A_104] : memref<20480xf32, #tpu.memory_space<hbm>> -> memref<128xf32, #tpu.memory_space<hbm>>
      %dma_start3A_121 = tpu.memref_slice %arg9[%add3A_104] : memref<20480xf32, #tpu.memory_space<hbm>> -> memref<128xf32, #tpu.memory_space<hbm>>
      tpu.enqueue_dma source(%arg17 : memref<128xf32, #tpu.memory_space<vmem>>) target(%dma_start3A_121 : memref<128xf32, #tpu.memory_space<hbm>>) target_semaphore(%run_scoped3A : memref<!tpu.dma_semaphore, #tpu.memory_space<semaphore_mem>>)
      %dma_wait3A = tpu.memref_slice %arg9[%add3A_104] : memref<20480xf32, #tpu.memory_space<hbm>> -> memref<128xf32, #tpu.memory_space<hbm>>
      %dma_wait3A_122 = tpu.memref_slice %arg9[%add3A_104] : memref<20480xf32, #tpu.memory_space<hbm>> -> memref<128xf32, #tpu.memory_space<hbm>>
      tpu.wait_dma2 semaphore(%run_scoped3A : memref<!tpu.dma_semaphore, #tpu.memory_space<semaphore_mem>>) src(%arg17 : memref<128xf32, #tpu.memory_space<vmem>>) dst(%dma_wait3A_122 : memref<128xf32, #tpu.memory_space<hbm>>)
      tpu.yield
    }) : () -> ()
    %add3A_105 = arith.constant 384 : i32
    %add3A_106 = arith.addi %mul3A_2, %add3A_105 : i32
    "tpu.region"() ({
      %run_scoped3A = tpu.sem_alloc : memref<!tpu.dma_semaphore, #tpu.memory_space<semaphore_mem>>
      %dma_start3A = arith.constant 0 : i32
      %dma_start3A_121 = tpu.memref_slice %arg10[%add3A_106, %dma_start3A] : memref<10240x128xf32, #tpu.memory_space<vmem_shared>> -> memref<128x128xf32, #tpu.memory_space<vmem_shared>>
      %dma_start3A_122 = arith.constant 0 : i32
      %dma_start3A_123 = tpu.memref_slice %arg10[%add3A_106, %dma_start3A_122] : memref<10240x128xf32, #tpu.memory_space<vmem_shared>> -> memref<128x128xf32, #tpu.memory_space<vmem_shared>>
      tpu.enqueue_dma source(%dma_start3A_123 : memref<128x128xf32, #tpu.memory_space<vmem_shared>>) target(%arg13 : memref<128x128xf32, #tpu.memory_space<vmem>>) target_semaphore(%run_scoped3A : memref<!tpu.dma_semaphore, #tpu.memory_space<semaphore_mem>>)
      %dma_wait3A = arith.constant 0 : i32
      %dma_wait3A_124 = tpu.memref_slice %arg10[%add3A_106, %dma_wait3A] : memref<10240x128xf32, #tpu.memory_space<vmem_shared>> -> memref<128x128xf32, #tpu.memory_space<vmem_shared>>
      %dma_wait3A_125 = arith.constant 0 : i32
      %dma_wait3A_126 = tpu.memref_slice %arg10[%add3A_106, %dma_wait3A_125] : memref<10240x128xf32, #tpu.memory_space<vmem_shared>> -> memref<128x128xf32, #tpu.memory_space<vmem_shared>>
      tpu.wait_dma2 semaphore(%run_scoped3A : memref<!tpu.dma_semaphore, #tpu.memory_space<semaphore_mem>>) src(%dma_wait3A_126 : memref<128x128xf32, #tpu.memory_space<vmem_shared>>) dst(%arg13 : memref<128x128xf32, #tpu.memory_space<vmem>>)
      tpu.yield
    }) : () -> ()
    %add3A_107 = arith.constant 384 : i32
    %add3A_108 = arith.addi %add3A_80, %add3A_107 : i32
    "tpu.region"() ({
      %run_scoped3A = tpu.sem_alloc : memref<!tpu.dma_semaphore, #tpu.memory_space<semaphore_mem>>
      %dma_start3A = arith.constant 0 : i32
      %dma_start3A_121 = tpu.memref_slice %arg8[%add3A_108, %dma_start3A] : memref<20480x128xf32, #tpu.memory_space<hbm>> -> memref<128x128xf32, #tpu.memory_space<hbm>>
      %dma_start3A_122 = arith.constant 0 : i32
      %dma_start3A_123 = tpu.memref_slice %arg8[%add3A_108, %dma_start3A_122] : memref<20480x128xf32, #tpu.memory_space<hbm>> -> memref<128x128xf32, #tpu.memory_space<hbm>>
      tpu.enqueue_dma source(%arg13 : memref<128x128xf32, #tpu.memory_space<vmem>>) target(%dma_start3A_123 : memref<128x128xf32, #tpu.memory_space<hbm>>) target_semaphore(%run_scoped3A : memref<!tpu.dma_semaphore, #tpu.memory_space<semaphore_mem>>)
      %dma_wait3A = arith.constant 0 : i32
      %dma_wait3A_124 = tpu.memref_slice %arg8[%add3A_108, %dma_wait3A] : memref<20480x128xf32, #tpu.memory_space<hbm>> -> memref<128x128xf32, #tpu.memory_space<hbm>>
      %dma_wait3A_125 = arith.constant 0 : i32
      %dma_wait3A_126 = tpu.memref_slice %arg8[%add3A_108, %dma_wait3A_125] : memref<20480x128xf32, #tpu.memory_space<hbm>> -> memref<128x128xf32, #tpu.memory_space<hbm>>
      tpu.wait_dma2 semaphore(%run_scoped3A : memref<!tpu.dma_semaphore, #tpu.memory_space<semaphore_mem>>) src(%arg13 : memref<128x128xf32, #tpu.memory_space<vmem>>) dst(%dma_wait3A_126 : memref<128x128xf32, #tpu.memory_space<hbm>>)
      tpu.yield
    }) : () -> ()
    %add3A_109 = arith.constant 384 : i32
    %add3A_110 = arith.addi %mul3A_2, %add3A_109 : i32
    "tpu.region"() ({
      %run_scoped3A = tpu.sem_alloc : memref<!tpu.dma_semaphore, #tpu.memory_space<semaphore_mem>>
      %dma_start3A = tpu.memref_slice %arg15[%add3A_110] : memref<10240xf32, #tpu.memory_space<vmem_shared>> -> memref<128xf32, #tpu.memory_space<vmem_shared>>
      %dma_start3A_121 = tpu.memref_slice %arg15[%add3A_110] : memref<10240xf32, #tpu.memory_space<vmem_shared>> -> memref<128xf32, #tpu.memory_space<vmem_shared>>
      tpu.enqueue_dma source(%dma_start3A_121 : memref<128xf32, #tpu.memory_space<vmem_shared>>) target(%arg17 : memref<128xf32, #tpu.memory_space<vmem>>) target_semaphore(%run_scoped3A : memref<!tpu.dma_semaphore, #tpu.memory_space<semaphore_mem>>)
      %dma_wait3A = tpu.memref_slice %arg15[%add3A_110] : memref<10240xf32, #tpu.memory_space<vmem_shared>> -> memref<128xf32, #tpu.memory_space<vmem_shared>>
      %dma_wait3A_122 = tpu.memref_slice %arg15[%add3A_110] : memref<10240xf32, #tpu.memory_space<vmem_shared>> -> memref<128xf32, #tpu.memory_space<vmem_shared>>
      tpu.wait_dma2 semaphore(%run_scoped3A : memref<!tpu.dma_semaphore, #tpu.memory_space<semaphore_mem>>) src(%dma_wait3A_122 : memref<128xf32, #tpu.memory_space<vmem_shared>>) dst(%arg17 : memref<128xf32, #tpu.memory_space<vmem>>)
      tpu.yield
    }) : () -> ()
    %add3A_111 = arith.constant 384 : i32
    %add3A_112 = arith.addi %add3A_80, %add3A_111 : i32
    "tpu.region"() ({
      %run_scoped3A = tpu.sem_alloc : memref<!tpu.dma_semaphore, #tpu.memory_space<semaphore_mem>>
      %dma_start3A = tpu.memref_slice %arg9[%add3A_112] : memref<20480xf32, #tpu.memory_space<hbm>> -> memref<128xf32, #tpu.memory_space<hbm>>
      %dma_start3A_121 = tpu.memref_slice %arg9[%add3A_112] : memref<20480xf32, #tpu.memory_space<hbm>> -> memref<128xf32, #tpu.memory_space<hbm>>
      tpu.enqueue_dma source(%arg17 : memref<128xf32, #tpu.memory_space<vmem>>) target(%dma_start3A_121 : memref<128xf32, #tpu.memory_space<hbm>>) target_semaphore(%run_scoped3A : memref<!tpu.dma_semaphore, #tpu.memory_space<semaphore_mem>>)
      %dma_wait3A = tpu.memref_slice %arg9[%add3A_112] : memref<20480xf32, #tpu.memory_space<hbm>> -> memref<128xf32, #tpu.memory_space<hbm>>
      %dma_wait3A_122 = tpu.memref_slice %arg9[%add3A_112] : memref<20480xf32, #tpu.memory_space<hbm>> -> memref<128xf32, #tpu.memory_space<hbm>>
      tpu.wait_dma2 semaphore(%run_scoped3A : memref<!tpu.dma_semaphore, #tpu.memory_space<semaphore_mem>>) src(%arg17 : memref<128xf32, #tpu.memory_space<vmem>>) dst(%dma_wait3A_122 : memref<128xf32, #tpu.memory_space<hbm>>)
      tpu.yield
    }) : () -> ()
    %add3A_113 = arith.constant 512 : i32
    %add3A_114 = arith.addi %mul3A_2, %add3A_113 : i32
    "tpu.region"() ({
      %run_scoped3A = tpu.sem_alloc : memref<!tpu.dma_semaphore, #tpu.memory_space<semaphore_mem>>
      %dma_start3A = arith.constant 0 : i32
      %dma_start3A_121 = tpu.memref_slice %arg10[%add3A_114, %dma_start3A] : memref<10240x128xf32, #tpu.memory_space<vmem_shared>> -> memref<128x128xf32, #tpu.memory_space<vmem_shared>>
      %dma_start3A_122 = arith.constant 0 : i32
      %dma_start3A_123 = tpu.memref_slice %arg10[%add3A_114, %dma_start3A_122] : memref<10240x128xf32, #tpu.memory_space<vmem_shared>> -> memref<128x128xf32, #tpu.memory_space<vmem_shared>>
      tpu.enqueue_dma source(%dma_start3A_123 : memref<128x128xf32, #tpu.memory_space<vmem_shared>>) target(%arg13 : memref<128x128xf32, #tpu.memory_space<vmem>>) target_semaphore(%run_scoped3A : memref<!tpu.dma_semaphore, #tpu.memory_space<semaphore_mem>>)
      %dma_wait3A = arith.constant 0 : i32
      %dma_wait3A_124 = tpu.memref_slice %arg10[%add3A_114, %dma_wait3A] : memref<10240x128xf32, #tpu.memory_space<vmem_shared>> -> memref<128x128xf32, #tpu.memory_space<vmem_shared>>
      %dma_wait3A_125 = arith.constant 0 : i32
      %dma_wait3A_126 = tpu.memref_slice %arg10[%add3A_114, %dma_wait3A_125] : memref<10240x128xf32, #tpu.memory_space<vmem_shared>> -> memref<128x128xf32, #tpu.memory_space<vmem_shared>>
      tpu.wait_dma2 semaphore(%run_scoped3A : memref<!tpu.dma_semaphore, #tpu.memory_space<semaphore_mem>>) src(%dma_wait3A_126 : memref<128x128xf32, #tpu.memory_space<vmem_shared>>) dst(%arg13 : memref<128x128xf32, #tpu.memory_space<vmem>>)
      tpu.yield
    }) : () -> ()
    %add3A_115 = arith.constant 512 : i32
    %add3A_116 = arith.addi %add3A_80, %add3A_115 : i32
    "tpu.region"() ({
      %run_scoped3A = tpu.sem_alloc : memref<!tpu.dma_semaphore, #tpu.memory_space<semaphore_mem>>
      %dma_start3A = arith.constant 0 : i32
      %dma_start3A_121 = tpu.memref_slice %arg8[%add3A_116, %dma_start3A] : memref<20480x128xf32, #tpu.memory_space<hbm>> -> memref<128x128xf32, #tpu.memory_space<hbm>>
      %dma_start3A_122 = arith.constant 0 : i32
      %dma_start3A_123 = tpu.memref_slice %arg8[%add3A_116, %dma_start3A_122] : memref<20480x128xf32, #tpu.memory_space<hbm>> -> memref<128x128xf32, #tpu.memory_space<hbm>>
      tpu.enqueue_dma source(%arg13 : memref<128x128xf32, #tpu.memory_space<vmem>>) target(%dma_start3A_123 : memref<128x128xf32, #tpu.memory_space<hbm>>) target_semaphore(%run_scoped3A : memref<!tpu.dma_semaphore, #tpu.memory_space<semaphore_mem>>)
      %dma_wait3A = arith.constant 0 : i32
      %dma_wait3A_124 = tpu.memref_slice %arg8[%add3A_116, %dma_wait3A] : memref<20480x128xf32, #tpu.memory_space<hbm>> -> memref<128x128xf32, #tpu.memory_space<hbm>>
      %dma_wait3A_125 = arith.constant 0 : i32
      %dma_wait3A_126 = tpu.memref_slice %arg8[%add3A_116, %dma_wait3A_125] : memref<20480x128xf32, #tpu.memory_space<hbm>> -> memref<128x128xf32, #tpu.memory_space<hbm>>
      tpu.wait_dma2 semaphore(%run_scoped3A : memref<!tpu.dma_semaphore, #tpu.memory_space<semaphore_mem>>) src(%arg13 : memref<128x128xf32, #tpu.memory_space<vmem>>) dst(%dma_wait3A_126 : memref<128x128xf32, #tpu.memory_space<hbm>>)
      tpu.yield
    }) : () -> ()
    %add3A_117 = arith.constant 512 : i32
    %add3A_118 = arith.addi %mul3A_2, %add3A_117 : i32
    "tpu.region"() ({
      %run_scoped3A = tpu.sem_alloc : memref<!tpu.dma_semaphore, #tpu.memory_space<semaphore_mem>>
      %dma_start3A = tpu.memref_slice %arg15[%add3A_118] : memref<10240xf32, #tpu.memory_space<vmem_shared>> -> memref<128xf32, #tpu.memory_space<vmem_shared>>
      %dma_start3A_121 = tpu.memref_slice %arg15[%add3A_118] : memref<10240xf32, #tpu.memory_space<vmem_shared>> -> memref<128xf32, #tpu.memory_space<vmem_shared>>
      tpu.enqueue_dma source(%dma_start3A_121 : memref<128xf32, #tpu.memory_space<vmem_shared>>) target(%arg17 : memref<128xf32, #tpu.memory_space<vmem>>) target_semaphore(%run_scoped3A : memref<!tpu.dma_semaphore, #tpu.memory_space<semaphore_mem>>)
      %dma_wait3A = tpu.memref_slice %arg15[%add3A_118] : memref<10240xf32, #tpu.memory_space<vmem_shared>> -> memref<128xf32, #tpu.memory_space<vmem_shared>>
      %dma_wait3A_122 = tpu.memref_slice %arg15[%add3A_118] : memref<10240xf32, #tpu.memory_space<vmem_shared>> -> memref<128xf32, #tpu.memory_space<vmem_shared>>
      tpu.wait_dma2 semaphore(%run_scoped3A : memref<!tpu.dma_semaphore, #tpu.memory_space<semaphore_mem>>) src(%dma_wait3A_122 : memref<128xf32, #tpu.memory_space<vmem_shared>>) dst(%arg17 : memref<128xf32, #tpu.memory_space<vmem>>)
      tpu.yield
    }) : () -> ()
    %add3A_119 = arith.constant 512 : i32
    %add3A_120 = arith.addi %add3A_80, %add3A_119 : i32
    "tpu.region"() ({
      %run_scoped3A = tpu.sem_alloc : memref<!tpu.dma_semaphore, #tpu.memory_space<semaphore_mem>>
      %dma_start3A = tpu.memref_slice %arg9[%add3A_120] : memref<20480xf32, #tpu.memory_space<hbm>> -> memref<128xf32, #tpu.memory_space<hbm>>
      %dma_start3A_121 = tpu.memref_slice %arg9[%add3A_120] : memref<20480xf32, #tpu.memory_space<hbm>> -> memref<128xf32, #tpu.memory_space<hbm>>
      tpu.enqueue_dma source(%arg17 : memref<128xf32, #tpu.memory_space<vmem>>) target(%dma_start3A_121 : memref<128xf32, #tpu.memory_space<hbm>>) target_semaphore(%run_scoped3A : memref<!tpu.dma_semaphore, #tpu.memory_space<semaphore_mem>>)
      %dma_wait3A = tpu.memref_slice %arg9[%add3A_120] : memref<20480xf32, #tpu.memory_space<hbm>> -> memref<128xf32, #tpu.memory_space<hbm>>
      %dma_wait3A_122 = tpu.memref_slice %arg9[%add3A_120] : memref<20480xf32, #tpu.memory_space<hbm>> -> memref<128xf32, #tpu.memory_space<hbm>>
      tpu.wait_dma2 semaphore(%run_scoped3A : memref<!tpu.dma_semaphore, #tpu.memory_space<semaphore_mem>>) src(%arg17 : memref<128xf32, #tpu.memory_space<vmem>>) dst(%dma_wait3A_122 : memref<128xf32, #tpu.memory_space<hbm>>)
      tpu.yield
    }) : () -> ()
    return
  }
}

#map = affine_map<(d0, d1) -> (0, 0)>
#map1 = affine_map<(d0, d1) -> (0)>
module attributes {stable_mosaic.version = 14 : i64} {
  func.func @body(%arg0: i32, %arg1: i32, %arg2: memref<10000x128xf32, #tpu.memory_space<hbm>>, %arg3: memref<320000xi32, #tpu.memory_space<hbm>>, %arg4: memref<320000xi32, #tpu.memory_space<hbm>>, %arg5: memref<128x128xf32, #tpu.memory_space<hbm>>, %arg6: memref<128xf32, #tpu.memory_space<hbm>>, %arg7: memref<128xf32, #tpu.memory_space<hbm>>, %arg8: memref<20480x128xf32, #tpu.memory_space<hbm>>, %arg9: memref<10240x128xf32, #tpu.memory_space<vmem_shared>>, %arg10: memref<128xi32, #tpu.memory_space<vmem>>, %arg11: memref<128xi32, #tpu.memory_space<vmem>>, %arg12: memref<128x128xf32, #tpu.memory_space<vmem>>, %arg13: memref<!tpu.dma_semaphore, #tpu.memory_space<semaphore_mem>>) attributes {dimension_semantics = [#tpu.dimension_semantics<core_parallel>, #tpu.dimension_semantics<subcore_parallel>], iteration_bounds = array<i64: 2, 16>, scalar_prefetch = 0 : i64, scratch_operands = 5 : i64, tpu.core_type = #tpu.core_type<sc_vector_subcore>, window_params = [{transform_indices = #map}, {transform_indices = #map1}, {transform_indices = #map1}, {transform_indices = #map}, {transform_indices = #map1}, {transform_indices = #map1}, {transform_indices = #map}]} {
    %mul3A = arith.constant 16 : i32
    %mul3A_0 = arith.muli %arg0, %mul3A : i32
    %add3A = arith.addi %mul3A_0, %arg1 : i32
    %mul3A_1 = arith.constant 640 : i32
    %mul3A_2 = arith.muli %arg1, %mul3A_1 : i32
    "tpu.region"() ({
      %run_scoped3A = tpu.sem_alloc : memref<!tpu.dma_semaphore, #tpu.memory_space<semaphore_mem>>
      tpu.enqueue_dma source(%arg5 : memref<128x128xf32, #tpu.memory_space<hbm>>) target(%arg12 : memref<128x128xf32, #tpu.memory_space<vmem>>) target_semaphore(%run_scoped3A : memref<!tpu.dma_semaphore, #tpu.memory_space<semaphore_mem>>)
      tpu.wait_dma2 semaphore(%run_scoped3A : memref<!tpu.dma_semaphore, #tpu.memory_space<semaphore_mem>>) src(%arg5 : memref<128x128xf32, #tpu.memory_space<hbm>>) dst(%arg12 : memref<128x128xf32, #tpu.memory_space<vmem>>)
      tpu.yield
    }) : () -> ()
    %add3A_3 = arith.constant 0 : i32
    %add3A_4 = arith.addi %mul3A_2, %add3A_3 : i32
    "tpu.region"() ({
      %run_scoped3A = tpu.sem_alloc : memref<!tpu.dma_semaphore, #tpu.memory_space<semaphore_mem>>
      %dma_start3A = arith.constant 0 : i32
      %dma_start3A_91 = tpu.memref_slice %arg9[%add3A_4, %dma_start3A] : memref<10240x128xf32, #tpu.memory_space<vmem_shared>> -> memref<128x128xf32, #tpu.memory_space<vmem_shared>>
      %dma_start3A_92 = arith.constant 0 : i32
      %dma_start3A_93 = tpu.memref_slice %arg9[%add3A_4, %dma_start3A_92] : memref<10240x128xf32, #tpu.memory_space<vmem_shared>> -> memref<128x128xf32, #tpu.memory_space<vmem_shared>>
      tpu.enqueue_dma source(%arg12 : memref<128x128xf32, #tpu.memory_space<vmem>>) target(%dma_start3A_93 : memref<128x128xf32, #tpu.memory_space<vmem_shared>>) target_semaphore(%run_scoped3A : memref<!tpu.dma_semaphore, #tpu.memory_space<semaphore_mem>>)
      %dma_wait3A = arith.constant 0 : i32
      %dma_wait3A_94 = tpu.memref_slice %arg9[%add3A_4, %dma_wait3A] : memref<10240x128xf32, #tpu.memory_space<vmem_shared>> -> memref<128x128xf32, #tpu.memory_space<vmem_shared>>
      %dma_wait3A_95 = arith.constant 0 : i32
      %dma_wait3A_96 = tpu.memref_slice %arg9[%add3A_4, %dma_wait3A_95] : memref<10240x128xf32, #tpu.memory_space<vmem_shared>> -> memref<128x128xf32, #tpu.memory_space<vmem_shared>>
      tpu.wait_dma2 semaphore(%run_scoped3A : memref<!tpu.dma_semaphore, #tpu.memory_space<semaphore_mem>>) src(%arg12 : memref<128x128xf32, #tpu.memory_space<vmem>>) dst(%dma_wait3A_96 : memref<128x128xf32, #tpu.memory_space<vmem_shared>>)
      tpu.yield
    }) : () -> ()
    %add3A_5 = arith.constant 128 : i32
    %add3A_6 = arith.addi %mul3A_2, %add3A_5 : i32
    "tpu.region"() ({
      %run_scoped3A = tpu.sem_alloc : memref<!tpu.dma_semaphore, #tpu.memory_space<semaphore_mem>>
      %dma_start3A = arith.constant 0 : i32
      %dma_start3A_91 = tpu.memref_slice %arg9[%add3A_6, %dma_start3A] : memref<10240x128xf32, #tpu.memory_space<vmem_shared>> -> memref<128x128xf32, #tpu.memory_space<vmem_shared>>
      %dma_start3A_92 = arith.constant 0 : i32
      %dma_start3A_93 = tpu.memref_slice %arg9[%add3A_6, %dma_start3A_92] : memref<10240x128xf32, #tpu.memory_space<vmem_shared>> -> memref<128x128xf32, #tpu.memory_space<vmem_shared>>
      tpu.enqueue_dma source(%arg12 : memref<128x128xf32, #tpu.memory_space<vmem>>) target(%dma_start3A_93 : memref<128x128xf32, #tpu.memory_space<vmem_shared>>) target_semaphore(%run_scoped3A : memref<!tpu.dma_semaphore, #tpu.memory_space<semaphore_mem>>)
      %dma_wait3A = arith.constant 0 : i32
      %dma_wait3A_94 = tpu.memref_slice %arg9[%add3A_6, %dma_wait3A] : memref<10240x128xf32, #tpu.memory_space<vmem_shared>> -> memref<128x128xf32, #tpu.memory_space<vmem_shared>>
      %dma_wait3A_95 = arith.constant 0 : i32
      %dma_wait3A_96 = tpu.memref_slice %arg9[%add3A_6, %dma_wait3A_95] : memref<10240x128xf32, #tpu.memory_space<vmem_shared>> -> memref<128x128xf32, #tpu.memory_space<vmem_shared>>
      tpu.wait_dma2 semaphore(%run_scoped3A : memref<!tpu.dma_semaphore, #tpu.memory_space<semaphore_mem>>) src(%arg12 : memref<128x128xf32, #tpu.memory_space<vmem>>) dst(%dma_wait3A_96 : memref<128x128xf32, #tpu.memory_space<vmem_shared>>)
      tpu.yield
    }) : () -> ()
    %add3A_7 = arith.constant 256 : i32
    %add3A_8 = arith.addi %mul3A_2, %add3A_7 : i32
    "tpu.region"() ({
      %run_scoped3A = tpu.sem_alloc : memref<!tpu.dma_semaphore, #tpu.memory_space<semaphore_mem>>
      %dma_start3A = arith.constant 0 : i32
      %dma_start3A_91 = tpu.memref_slice %arg9[%add3A_8, %dma_start3A] : memref<10240x128xf32, #tpu.memory_space<vmem_shared>> -> memref<128x128xf32, #tpu.memory_space<vmem_shared>>
      %dma_start3A_92 = arith.constant 0 : i32
      %dma_start3A_93 = tpu.memref_slice %arg9[%add3A_8, %dma_start3A_92] : memref<10240x128xf32, #tpu.memory_space<vmem_shared>> -> memref<128x128xf32, #tpu.memory_space<vmem_shared>>
      tpu.enqueue_dma source(%arg12 : memref<128x128xf32, #tpu.memory_space<vmem>>) target(%dma_start3A_93 : memref<128x128xf32, #tpu.memory_space<vmem_shared>>) target_semaphore(%run_scoped3A : memref<!tpu.dma_semaphore, #tpu.memory_space<semaphore_mem>>)
      %dma_wait3A = arith.constant 0 : i32
      %dma_wait3A_94 = tpu.memref_slice %arg9[%add3A_8, %dma_wait3A] : memref<10240x128xf32, #tpu.memory_space<vmem_shared>> -> memref<128x128xf32, #tpu.memory_space<vmem_shared>>
      %dma_wait3A_95 = arith.constant 0 : i32
      %dma_wait3A_96 = tpu.memref_slice %arg9[%add3A_8, %dma_wait3A_95] : memref<10240x128xf32, #tpu.memory_space<vmem_shared>> -> memref<128x128xf32, #tpu.memory_space<vmem_shared>>
      tpu.wait_dma2 semaphore(%run_scoped3A : memref<!tpu.dma_semaphore, #tpu.memory_space<semaphore_mem>>) src(%arg12 : memref<128x128xf32, #tpu.memory_space<vmem>>) dst(%dma_wait3A_96 : memref<128x128xf32, #tpu.memory_space<vmem_shared>>)
      tpu.yield
    }) : () -> ()
    %add3A_9 = arith.constant 384 : i32
    %add3A_10 = arith.addi %mul3A_2, %add3A_9 : i32
    "tpu.region"() ({
      %run_scoped3A = tpu.sem_alloc : memref<!tpu.dma_semaphore, #tpu.memory_space<semaphore_mem>>
      %dma_start3A = arith.constant 0 : i32
      %dma_start3A_91 = tpu.memref_slice %arg9[%add3A_10, %dma_start3A] : memref<10240x128xf32, #tpu.memory_space<vmem_shared>> -> memref<128x128xf32, #tpu.memory_space<vmem_shared>>
      %dma_start3A_92 = arith.constant 0 : i32
      %dma_start3A_93 = tpu.memref_slice %arg9[%add3A_10, %dma_start3A_92] : memref<10240x128xf32, #tpu.memory_space<vmem_shared>> -> memref<128x128xf32, #tpu.memory_space<vmem_shared>>
      tpu.enqueue_dma source(%arg12 : memref<128x128xf32, #tpu.memory_space<vmem>>) target(%dma_start3A_93 : memref<128x128xf32, #tpu.memory_space<vmem_shared>>) target_semaphore(%run_scoped3A : memref<!tpu.dma_semaphore, #tpu.memory_space<semaphore_mem>>)
      %dma_wait3A = arith.constant 0 : i32
      %dma_wait3A_94 = tpu.memref_slice %arg9[%add3A_10, %dma_wait3A] : memref<10240x128xf32, #tpu.memory_space<vmem_shared>> -> memref<128x128xf32, #tpu.memory_space<vmem_shared>>
      %dma_wait3A_95 = arith.constant 0 : i32
      %dma_wait3A_96 = tpu.memref_slice %arg9[%add3A_10, %dma_wait3A_95] : memref<10240x128xf32, #tpu.memory_space<vmem_shared>> -> memref<128x128xf32, #tpu.memory_space<vmem_shared>>
      tpu.wait_dma2 semaphore(%run_scoped3A : memref<!tpu.dma_semaphore, #tpu.memory_space<semaphore_mem>>) src(%arg12 : memref<128x128xf32, #tpu.memory_space<vmem>>) dst(%dma_wait3A_96 : memref<128x128xf32, #tpu.memory_space<vmem_shared>>)
      tpu.yield
    }) : () -> ()
    %add3A_11 = arith.constant 512 : i32
    %add3A_12 = arith.addi %mul3A_2, %add3A_11 : i32
    "tpu.region"() ({
      %run_scoped3A = tpu.sem_alloc : memref<!tpu.dma_semaphore, #tpu.memory_space<semaphore_mem>>
      %dma_start3A = arith.constant 0 : i32
      %dma_start3A_91 = tpu.memref_slice %arg9[%add3A_12, %dma_start3A] : memref<10240x128xf32, #tpu.memory_space<vmem_shared>> -> memref<128x128xf32, #tpu.memory_space<vmem_shared>>
      %dma_start3A_92 = arith.constant 0 : i32
      %dma_start3A_93 = tpu.memref_slice %arg9[%add3A_12, %dma_start3A_92] : memref<10240x128xf32, #tpu.memory_space<vmem_shared>> -> memref<128x128xf32, #tpu.memory_space<vmem_shared>>
      tpu.enqueue_dma source(%arg12 : memref<128x128xf32, #tpu.memory_space<vmem>>) target(%dma_start3A_93 : memref<128x128xf32, #tpu.memory_space<vmem_shared>>) target_semaphore(%run_scoped3A : memref<!tpu.dma_semaphore, #tpu.memory_space<semaphore_mem>>)
      %dma_wait3A = arith.constant 0 : i32
      %dma_wait3A_94 = tpu.memref_slice %arg9[%add3A_12, %dma_wait3A] : memref<10240x128xf32, #tpu.memory_space<vmem_shared>> -> memref<128x128xf32, #tpu.memory_space<vmem_shared>>
      %dma_wait3A_95 = arith.constant 0 : i32
      %dma_wait3A_96 = tpu.memref_slice %arg9[%add3A_12, %dma_wait3A_95] : memref<10240x128xf32, #tpu.memory_space<vmem_shared>> -> memref<128x128xf32, #tpu.memory_space<vmem_shared>>
      tpu.wait_dma2 semaphore(%run_scoped3A : memref<!tpu.dma_semaphore, #tpu.memory_space<semaphore_mem>>) src(%arg12 : memref<128x128xf32, #tpu.memory_space<vmem>>) dst(%dma_wait3A_96 : memref<128x128xf32, #tpu.memory_space<vmem_shared>>)
      tpu.yield
    }) : () -> ()
    %barrier3A = arith.constant 0 : index
    tpu.barrier barrier_id(%barrier3A)
    %mul3A_13 = arith.constant 2500 : i32
    %mul3A_14 = arith.muli %add3A, %mul3A_13 : i32
    %jit3A = arith.constant 32 : i32
    %div3A = arith.divsi %mul3A_14, %jit3A : i32
    %sign3A = arith.constant 0 : i32
    %sign3A_15 = arith.cmpi sgt, %mul3A_14, %sign3A : i32
    %sign3A_16 = arith.extui %sign3A_15 : i1 to i32
    %sign3A_17 = arith.constant 0 : i32
    %sign3A_18 = arith.cmpi slt, %mul3A_14, %sign3A_17 : i32
    %sign3A_19 = arith.extui %sign3A_18 : i1 to i32
    %sign3A_20 = arith.subi %sign3A_16, %sign3A_19 : i32
    %sign3A_21 = arith.constant 0 : i32
    %sign3A_22 = arith.cmpi sgt, %jit3A, %sign3A_21 : i32
    %sign3A_23 = arith.extui %sign3A_22 : i1 to i32
    %sign3A_24 = arith.constant 0 : i32
    %sign3A_25 = arith.cmpi slt, %jit3A, %sign3A_24 : i32
    %sign3A_26 = arith.extui %sign3A_25 : i1 to i32
    %sign3A_27 = arith.subi %sign3A_23, %sign3A_26 : i32
    %ne3A = arith.cmpi ne, %sign3A_20, %sign3A_27 : i32
    %rem3A = arith.remsi %mul3A_14, %jit3A : i32
    %ne3A_28 = arith.constant 0 : i32
    %ne3A_29 = arith.cmpi ne, %rem3A, %ne3A_28 : i32
    %and3A = arith.andi %ne3A, %ne3A_29 : i1
    %sub3A = arith.constant 1 : i32
    %sub3A_30 = arith.subi %div3A, %sub3A : i32
    %select_n3A = arith.select %and3A, %sub3A_30, %div3A : i32
    %add3A_31 = arith.constant 1 : i32
    %add3A_32 = arith.addi %add3A, %add3A_31 : i32
    %mul3A_33 = arith.constant 2500 : i32
    %mul3A_34 = arith.muli %add3A_32, %mul3A_33 : i32
    %jit3A_35 = arith.constant 32 : i32
    %div3A_36 = arith.divsi %mul3A_34, %jit3A_35 : i32
    %sign3A_37 = arith.constant 0 : i32
    %sign3A_38 = arith.cmpi sgt, %mul3A_34, %sign3A_37 : i32
    %sign3A_39 = arith.extui %sign3A_38 : i1 to i32
    %sign3A_40 = arith.constant 0 : i32
    %sign3A_41 = arith.cmpi slt, %mul3A_34, %sign3A_40 : i32
    %sign3A_42 = arith.extui %sign3A_41 : i1 to i32
    %sign3A_43 = arith.subi %sign3A_39, %sign3A_42 : i32
    %sign3A_44 = arith.constant 0 : i32
    %sign3A_45 = arith.cmpi sgt, %jit3A_35, %sign3A_44 : i32
    %sign3A_46 = arith.extui %sign3A_45 : i1 to i32
    %sign3A_47 = arith.constant 0 : i32
    %sign3A_48 = arith.cmpi slt, %jit3A_35, %sign3A_47 : i32
    %sign3A_49 = arith.extui %sign3A_48 : i1 to i32
    %sign3A_50 = arith.subi %sign3A_46, %sign3A_49 : i32
    %ne3A_51 = arith.cmpi ne, %sign3A_43, %sign3A_50 : i32
    %rem3A_52 = arith.remsi %mul3A_34, %jit3A_35 : i32
    %ne3A_53 = arith.constant 0 : i32
    %ne3A_54 = arith.cmpi ne, %rem3A_52, %ne3A_53 : i32
    %and3A_55 = arith.andi %ne3A_51, %ne3A_54 : i1
    %sub3A_56 = arith.constant 1 : i32
    %sub3A_57 = arith.subi %div3A_36, %sub3A_56 : i32
    %select_n3A_58 = arith.select %and3A_55, %sub3A_57, %div3A_36 : i32
    %while3A = arith.constant 0 : i32
    %while3A_59 = arith.subi %select_n3A_58, %select_n3A : i32
    %while3A_60 = arith.addi %select_n3A, %while3A_59 : i32
    %while3A_61 = arith.constant 1 : i32
    %while3A_62 = arith.divsi %while3A_59, %while3A_61 : i32
    %while3A_63 = arith.muli %while3A_62, %while3A_61 : i32
    %while3A_64 = arith.addi %select_n3A, %while3A_63 : i32
    %while3A_65 = arith.constant 1 : i32
    scf.for %while3A_91 = %select_n3A to %while3A_64 step %while3A_65  : i32 {
      %mul3A_92 = arith.constant 128 : i32
      %mul3A_93 = arith.muli %while3A_91, %mul3A_92 : i32
      "tpu.region"() ({
        %run_scoped3A = tpu.sem_alloc : memref<!tpu.dma_semaphore, #tpu.memory_space<semaphore_mem>>
        %dma_start3A_98 = tpu.memref_slice %arg3[%mul3A_93] : memref<320000xi32, #tpu.memory_space<hbm>> -> memref<128xi32, #tpu.memory_space<hbm>>
        %dma_start3A_99 = tpu.memref_slice %arg3[%mul3A_93] : memref<320000xi32, #tpu.memory_space<hbm>> -> memref<128xi32, #tpu.memory_space<hbm>>
        tpu.enqueue_dma source(%dma_start3A_99 : memref<128xi32, #tpu.memory_space<hbm>>) target(%arg10 : memref<128xi32, #tpu.memory_space<vmem>>) target_semaphore(%run_scoped3A : memref<!tpu.dma_semaphore, #tpu.memory_space<semaphore_mem>>)
        %dma_wait3A_100 = tpu.memref_slice %arg3[%mul3A_93] : memref<320000xi32, #tpu.memory_space<hbm>> -> memref<128xi32, #tpu.memory_space<hbm>>
        %dma_wait3A_101 = tpu.memref_slice %arg3[%mul3A_93] : memref<320000xi32, #tpu.memory_space<hbm>> -> memref<128xi32, #tpu.memory_space<hbm>>
        tpu.wait_dma2 semaphore(%run_scoped3A : memref<!tpu.dma_semaphore, #tpu.memory_space<semaphore_mem>>) src(%dma_wait3A_101 : memref<128xi32, #tpu.memory_space<hbm>>) dst(%arg10 : memref<128xi32, #tpu.memory_space<vmem>>)
        tpu.yield
      }) : () -> ()
      "tpu.region"() ({
        %run_scoped3A = tpu.sem_alloc : memref<!tpu.dma_semaphore, #tpu.memory_space<semaphore_mem>>
        %dma_start3A_98 = tpu.memref_slice %arg4[%mul3A_93] : memref<320000xi32, #tpu.memory_space<hbm>> -> memref<128xi32, #tpu.memory_space<hbm>>
        %dma_start3A_99 = tpu.memref_slice %arg4[%mul3A_93] : memref<320000xi32, #tpu.memory_space<hbm>> -> memref<128xi32, #tpu.memory_space<hbm>>
        tpu.enqueue_dma source(%dma_start3A_99 : memref<128xi32, #tpu.memory_space<hbm>>) target(%arg11 : memref<128xi32, #tpu.memory_space<vmem>>) target_semaphore(%run_scoped3A : memref<!tpu.dma_semaphore, #tpu.memory_space<semaphore_mem>>)
        %dma_wait3A_100 = tpu.memref_slice %arg4[%mul3A_93] : memref<320000xi32, #tpu.memory_space<hbm>> -> memref<128xi32, #tpu.memory_space<hbm>>
        %dma_wait3A_101 = tpu.memref_slice %arg4[%mul3A_93] : memref<320000xi32, #tpu.memory_space<hbm>> -> memref<128xi32, #tpu.memory_space<hbm>>
        tpu.wait_dma2 semaphore(%run_scoped3A : memref<!tpu.dma_semaphore, #tpu.memory_space<semaphore_mem>>) src(%dma_wait3A_101 : memref<128xi32, #tpu.memory_space<hbm>>) dst(%arg11 : memref<128xi32, #tpu.memory_space<vmem>>)
        tpu.yield
      }) : () -> ()
      %dma_start3A = arith.constant 0 : i32
      %dma_start3A_94 = arith.constant 0 : i32
      %dma_start3A_95 = tpu.memref_slice %arg2[%dma_start3A, %dma_start3A_94] : memref<10000x128xf32, #tpu.memory_space<hbm>> -> memref<10000x128xf32, #tpu.memory_space<hbm>>
      tpu.enqueue_indirect_dma source(%dma_start3A_95 : memref<10000x128xf32, #tpu.memory_space<hbm>>) target(%arg12 : memref<128x128xf32, #tpu.memory_space<vmem>>) offsets(%arg10 : memref<128xi32, #tpu.memory_space<vmem>>) semaphore(%arg13 : memref<!tpu.dma_semaphore, #tpu.memory_space<semaphore_mem>>)
      %dma_wait3A = arith.constant 0 : i32
      %dma_wait3A_96 = arith.constant 0 : i32
      %dma_wait3A_97 = tpu.memref_slice %arg2[%dma_wait3A, %dma_wait3A_96] : memref<10000x128xf32, #tpu.memory_space<hbm>> -> memref<10000x128xf32, #tpu.memory_space<hbm>>
      tpu.wait_indirect_dma semaphore(%arg13 : memref<!tpu.dma_semaphore, #tpu.memory_space<semaphore_mem>>) src(%dma_wait3A_97 : memref<10000x128xf32, #tpu.memory_space<hbm>>) dst(%arg12 : memref<128x128xf32, #tpu.memory_space<vmem>>)
      "tpu.region"() ({
        %run_scoped3A = tpu.sem_alloc : memref<!tpu.dma_semaphore, #tpu.memory_space<semaphore_mem>>
        %dma_start3A_98 = arith.constant 0 : i32
        %dma_start3A_99 = arith.constant 0 : i32
        %dma_start3A_100 = tpu.memref_slice %arg9[%dma_start3A_98, %dma_start3A_99] : memref<10240x128xf32, #tpu.memory_space<vmem_shared>> -> memref<10240x128xf32, #tpu.memory_space<vmem_shared>>
        tpu.enqueue_indirect_dma source(%arg12 : memref<128x128xf32, #tpu.memory_space<vmem>>) target(%dma_start3A_100 : memref<10240x128xf32, #tpu.memory_space<vmem_shared>>) offsets(%arg11 : memref<128xi32, #tpu.memory_space<vmem>>) semaphore(%run_scoped3A : memref<!tpu.dma_semaphore, #tpu.memory_space<semaphore_mem>>) {add = true}
        %dma_wait3A_101 = arith.constant 0 : i32
        %dma_wait3A_102 = arith.constant 0 : i32
        %dma_wait3A_103 = tpu.memref_slice %arg9[%dma_wait3A_101, %dma_wait3A_102] : memref<10240x128xf32, #tpu.memory_space<vmem_shared>> -> memref<10240x128xf32, #tpu.memory_space<vmem_shared>>
        tpu.wait_indirect_dma semaphore(%run_scoped3A : memref<!tpu.dma_semaphore, #tpu.memory_space<semaphore_mem>>) src(%arg12 : memref<128x128xf32, #tpu.memory_space<vmem>>) dst(%dma_wait3A_103 : memref<10240x128xf32, #tpu.memory_space<vmem_shared>>)
        tpu.yield
      }) : () -> ()
    }
    %while3A_66 = arith.constant 1 : i32
    scf.for %while3A_91 = %while3A_64 to %while3A_60 step %while3A_66  : i32 {
      %mul3A_92 = arith.constant 128 : i32
      %mul3A_93 = arith.muli %while3A_91, %mul3A_92 : i32
      "tpu.region"() ({
        %run_scoped3A = tpu.sem_alloc : memref<!tpu.dma_semaphore, #tpu.memory_space<semaphore_mem>>
        %dma_start3A_98 = tpu.memref_slice %arg3[%mul3A_93] : memref<320000xi32, #tpu.memory_space<hbm>> -> memref<128xi32, #tpu.memory_space<hbm>>
        %dma_start3A_99 = tpu.memref_slice %arg3[%mul3A_93] : memref<320000xi32, #tpu.memory_space<hbm>> -> memref<128xi32, #tpu.memory_space<hbm>>
        tpu.enqueue_dma source(%dma_start3A_99 : memref<128xi32, #tpu.memory_space<hbm>>) target(%arg10 : memref<128xi32, #tpu.memory_space<vmem>>) target_semaphore(%run_scoped3A : memref<!tpu.dma_semaphore, #tpu.memory_space<semaphore_mem>>)
        %dma_wait3A_100 = tpu.memref_slice %arg3[%mul3A_93] : memref<320000xi32, #tpu.memory_space<hbm>> -> memref<128xi32, #tpu.memory_space<hbm>>
        %dma_wait3A_101 = tpu.memref_slice %arg3[%mul3A_93] : memref<320000xi32, #tpu.memory_space<hbm>> -> memref<128xi32, #tpu.memory_space<hbm>>
        tpu.wait_dma2 semaphore(%run_scoped3A : memref<!tpu.dma_semaphore, #tpu.memory_space<semaphore_mem>>) src(%dma_wait3A_101 : memref<128xi32, #tpu.memory_space<hbm>>) dst(%arg10 : memref<128xi32, #tpu.memory_space<vmem>>)
        tpu.yield
      }) : () -> ()
      "tpu.region"() ({
        %run_scoped3A = tpu.sem_alloc : memref<!tpu.dma_semaphore, #tpu.memory_space<semaphore_mem>>
        %dma_start3A_98 = tpu.memref_slice %arg4[%mul3A_93] : memref<320000xi32, #tpu.memory_space<hbm>> -> memref<128xi32, #tpu.memory_space<hbm>>
        %dma_start3A_99 = tpu.memref_slice %arg4[%mul3A_93] : memref<320000xi32, #tpu.memory_space<hbm>> -> memref<128xi32, #tpu.memory_space<hbm>>
        tpu.enqueue_dma source(%dma_start3A_99 : memref<128xi32, #tpu.memory_space<hbm>>) target(%arg11 : memref<128xi32, #tpu.memory_space<vmem>>) target_semaphore(%run_scoped3A : memref<!tpu.dma_semaphore, #tpu.memory_space<semaphore_mem>>)
        %dma_wait3A_100 = tpu.memref_slice %arg4[%mul3A_93] : memref<320000xi32, #tpu.memory_space<hbm>> -> memref<128xi32, #tpu.memory_space<hbm>>
        %dma_wait3A_101 = tpu.memref_slice %arg4[%mul3A_93] : memref<320000xi32, #tpu.memory_space<hbm>> -> memref<128xi32, #tpu.memory_space<hbm>>
        tpu.wait_dma2 semaphore(%run_scoped3A : memref<!tpu.dma_semaphore, #tpu.memory_space<semaphore_mem>>) src(%dma_wait3A_101 : memref<128xi32, #tpu.memory_space<hbm>>) dst(%arg11 : memref<128xi32, #tpu.memory_space<vmem>>)
        tpu.yield
      }) : () -> ()
      %dma_start3A = arith.constant 0 : i32
      %dma_start3A_94 = arith.constant 0 : i32
      %dma_start3A_95 = tpu.memref_slice %arg2[%dma_start3A, %dma_start3A_94] : memref<10000x128xf32, #tpu.memory_space<hbm>> -> memref<10000x128xf32, #tpu.memory_space<hbm>>
      tpu.enqueue_indirect_dma source(%dma_start3A_95 : memref<10000x128xf32, #tpu.memory_space<hbm>>) target(%arg12 : memref<128x128xf32, #tpu.memory_space<vmem>>) offsets(%arg10 : memref<128xi32, #tpu.memory_space<vmem>>) semaphore(%arg13 : memref<!tpu.dma_semaphore, #tpu.memory_space<semaphore_mem>>)
      %dma_wait3A = arith.constant 0 : i32
      %dma_wait3A_96 = arith.constant 0 : i32
      %dma_wait3A_97 = tpu.memref_slice %arg2[%dma_wait3A, %dma_wait3A_96] : memref<10000x128xf32, #tpu.memory_space<hbm>> -> memref<10000x128xf32, #tpu.memory_space<hbm>>
      tpu.wait_indirect_dma semaphore(%arg13 : memref<!tpu.dma_semaphore, #tpu.memory_space<semaphore_mem>>) src(%dma_wait3A_97 : memref<10000x128xf32, #tpu.memory_space<hbm>>) dst(%arg12 : memref<128x128xf32, #tpu.memory_space<vmem>>)
      "tpu.region"() ({
        %run_scoped3A = tpu.sem_alloc : memref<!tpu.dma_semaphore, #tpu.memory_space<semaphore_mem>>
        %dma_start3A_98 = arith.constant 0 : i32
        %dma_start3A_99 = arith.constant 0 : i32
        %dma_start3A_100 = tpu.memref_slice %arg9[%dma_start3A_98, %dma_start3A_99] : memref<10240x128xf32, #tpu.memory_space<vmem_shared>> -> memref<10240x128xf32, #tpu.memory_space<vmem_shared>>
        tpu.enqueue_indirect_dma source(%arg12 : memref<128x128xf32, #tpu.memory_space<vmem>>) target(%dma_start3A_100 : memref<10240x128xf32, #tpu.memory_space<vmem_shared>>) offsets(%arg11 : memref<128xi32, #tpu.memory_space<vmem>>) semaphore(%run_scoped3A : memref<!tpu.dma_semaphore, #tpu.memory_space<semaphore_mem>>) {add = true}
        %dma_wait3A_101 = arith.constant 0 : i32
        %dma_wait3A_102 = arith.constant 0 : i32
        %dma_wait3A_103 = tpu.memref_slice %arg9[%dma_wait3A_101, %dma_wait3A_102] : memref<10240x128xf32, #tpu.memory_space<vmem_shared>> -> memref<10240x128xf32, #tpu.memory_space<vmem_shared>>
        tpu.wait_indirect_dma semaphore(%run_scoped3A : memref<!tpu.dma_semaphore, #tpu.memory_space<semaphore_mem>>) src(%arg12 : memref<128x128xf32, #tpu.memory_space<vmem>>) dst(%dma_wait3A_103 : memref<10240x128xf32, #tpu.memory_space<vmem_shared>>)
        tpu.yield
      }) : () -> ()
    }
    %barrier3A_67 = arith.constant 0 : index
    tpu.barrier barrier_id(%barrier3A_67)
    %mul3A_68 = arith.constant 10240 : i32
    %mul3A_69 = arith.muli %arg0, %mul3A_68 : i32
    %add3A_70 = arith.addi %mul3A_69, %mul3A_2 : i32
    %add3A_71 = arith.constant 0 : i32
    %add3A_72 = arith.addi %mul3A_2, %add3A_71 : i32
    "tpu.region"() ({
      %run_scoped3A = tpu.sem_alloc : memref<!tpu.dma_semaphore, #tpu.memory_space<semaphore_mem>>
      %dma_start3A = arith.constant 0 : i32
      %dma_start3A_91 = tpu.memref_slice %arg9[%add3A_72, %dma_start3A] : memref<10240x128xf32, #tpu.memory_space<vmem_shared>> -> memref<128x128xf32, #tpu.memory_space<vmem_shared>>
      %dma_start3A_92 = arith.constant 0 : i32
      %dma_start3A_93 = tpu.memref_slice %arg9[%add3A_72, %dma_start3A_92] : memref<10240x128xf32, #tpu.memory_space<vmem_shared>> -> memref<128x128xf32, #tpu.memory_space<vmem_shared>>
      tpu.enqueue_dma source(%dma_start3A_93 : memref<128x128xf32, #tpu.memory_space<vmem_shared>>) target(%arg12 : memref<128x128xf32, #tpu.memory_space<vmem>>) target_semaphore(%run_scoped3A : memref<!tpu.dma_semaphore, #tpu.memory_space<semaphore_mem>>)
      %dma_wait3A = arith.constant 0 : i32
      %dma_wait3A_94 = tpu.memref_slice %arg9[%add3A_72, %dma_wait3A] : memref<10240x128xf32, #tpu.memory_space<vmem_shared>> -> memref<128x128xf32, #tpu.memory_space<vmem_shared>>
      %dma_wait3A_95 = arith.constant 0 : i32
      %dma_wait3A_96 = tpu.memref_slice %arg9[%add3A_72, %dma_wait3A_95] : memref<10240x128xf32, #tpu.memory_space<vmem_shared>> -> memref<128x128xf32, #tpu.memory_space<vmem_shared>>
      tpu.wait_dma2 semaphore(%run_scoped3A : memref<!tpu.dma_semaphore, #tpu.memory_space<semaphore_mem>>) src(%dma_wait3A_96 : memref<128x128xf32, #tpu.memory_space<vmem_shared>>) dst(%arg12 : memref<128x128xf32, #tpu.memory_space<vmem>>)
      tpu.yield
    }) : () -> ()
    %add3A_73 = arith.constant 0 : i32
    %add3A_74 = arith.addi %add3A_70, %add3A_73 : i32
    "tpu.region"() ({
      %run_scoped3A = tpu.sem_alloc : memref<!tpu.dma_semaphore, #tpu.memory_space<semaphore_mem>>
      %dma_start3A = arith.constant 0 : i32
      %dma_start3A_91 = tpu.memref_slice %arg8[%add3A_74, %dma_start3A] : memref<20480x128xf32, #tpu.memory_space<hbm>> -> memref<128x128xf32, #tpu.memory_space<hbm>>
      %dma_start3A_92 = arith.constant 0 : i32
      %dma_start3A_93 = tpu.memref_slice %arg8[%add3A_74, %dma_start3A_92] : memref<20480x128xf32, #tpu.memory_space<hbm>> -> memref<128x128xf32, #tpu.memory_space<hbm>>
      tpu.enqueue_dma source(%arg12 : memref<128x128xf32, #tpu.memory_space<vmem>>) target(%dma_start3A_93 : memref<128x128xf32, #tpu.memory_space<hbm>>) target_semaphore(%run_scoped3A : memref<!tpu.dma_semaphore, #tpu.memory_space<semaphore_mem>>)
      %dma_wait3A = arith.constant 0 : i32
      %dma_wait3A_94 = tpu.memref_slice %arg8[%add3A_74, %dma_wait3A] : memref<20480x128xf32, #tpu.memory_space<hbm>> -> memref<128x128xf32, #tpu.memory_space<hbm>>
      %dma_wait3A_95 = arith.constant 0 : i32
      %dma_wait3A_96 = tpu.memref_slice %arg8[%add3A_74, %dma_wait3A_95] : memref<20480x128xf32, #tpu.memory_space<hbm>> -> memref<128x128xf32, #tpu.memory_space<hbm>>
      tpu.wait_dma2 semaphore(%run_scoped3A : memref<!tpu.dma_semaphore, #tpu.memory_space<semaphore_mem>>) src(%arg12 : memref<128x128xf32, #tpu.memory_space<vmem>>) dst(%dma_wait3A_96 : memref<128x128xf32, #tpu.memory_space<hbm>>)
      tpu.yield
    }) : () -> ()
    %add3A_75 = arith.constant 128 : i32
    %add3A_76 = arith.addi %mul3A_2, %add3A_75 : i32
    "tpu.region"() ({
      %run_scoped3A = tpu.sem_alloc : memref<!tpu.dma_semaphore, #tpu.memory_space<semaphore_mem>>
      %dma_start3A = arith.constant 0 : i32
      %dma_start3A_91 = tpu.memref_slice %arg9[%add3A_76, %dma_start3A] : memref<10240x128xf32, #tpu.memory_space<vmem_shared>> -> memref<128x128xf32, #tpu.memory_space<vmem_shared>>
      %dma_start3A_92 = arith.constant 0 : i32
      %dma_start3A_93 = tpu.memref_slice %arg9[%add3A_76, %dma_start3A_92] : memref<10240x128xf32, #tpu.memory_space<vmem_shared>> -> memref<128x128xf32, #tpu.memory_space<vmem_shared>>
      tpu.enqueue_dma source(%dma_start3A_93 : memref<128x128xf32, #tpu.memory_space<vmem_shared>>) target(%arg12 : memref<128x128xf32, #tpu.memory_space<vmem>>) target_semaphore(%run_scoped3A : memref<!tpu.dma_semaphore, #tpu.memory_space<semaphore_mem>>)
      %dma_wait3A = arith.constant 0 : i32
      %dma_wait3A_94 = tpu.memref_slice %arg9[%add3A_76, %dma_wait3A] : memref<10240x128xf32, #tpu.memory_space<vmem_shared>> -> memref<128x128xf32, #tpu.memory_space<vmem_shared>>
      %dma_wait3A_95 = arith.constant 0 : i32
      %dma_wait3A_96 = tpu.memref_slice %arg9[%add3A_76, %dma_wait3A_95] : memref<10240x128xf32, #tpu.memory_space<vmem_shared>> -> memref<128x128xf32, #tpu.memory_space<vmem_shared>>
      tpu.wait_dma2 semaphore(%run_scoped3A : memref<!tpu.dma_semaphore, #tpu.memory_space<semaphore_mem>>) src(%dma_wait3A_96 : memref<128x128xf32, #tpu.memory_space<vmem_shared>>) dst(%arg12 : memref<128x128xf32, #tpu.memory_space<vmem>>)
      tpu.yield
    }) : () -> ()
    %add3A_77 = arith.constant 128 : i32
    %add3A_78 = arith.addi %add3A_70, %add3A_77 : i32
    "tpu.region"() ({
      %run_scoped3A = tpu.sem_alloc : memref<!tpu.dma_semaphore, #tpu.memory_space<semaphore_mem>>
      %dma_start3A = arith.constant 0 : i32
      %dma_start3A_91 = tpu.memref_slice %arg8[%add3A_78, %dma_start3A] : memref<20480x128xf32, #tpu.memory_space<hbm>> -> memref<128x128xf32, #tpu.memory_space<hbm>>
      %dma_start3A_92 = arith.constant 0 : i32
      %dma_start3A_93 = tpu.memref_slice %arg8[%add3A_78, %dma_start3A_92] : memref<20480x128xf32, #tpu.memory_space<hbm>> -> memref<128x128xf32, #tpu.memory_space<hbm>>
      tpu.enqueue_dma source(%arg12 : memref<128x128xf32, #tpu.memory_space<vmem>>) target(%dma_start3A_93 : memref<128x128xf32, #tpu.memory_space<hbm>>) target_semaphore(%run_scoped3A : memref<!tpu.dma_semaphore, #tpu.memory_space<semaphore_mem>>)
      %dma_wait3A = arith.constant 0 : i32
      %dma_wait3A_94 = tpu.memref_slice %arg8[%add3A_78, %dma_wait3A] : memref<20480x128xf32, #tpu.memory_space<hbm>> -> memref<128x128xf32, #tpu.memory_space<hbm>>
      %dma_wait3A_95 = arith.constant 0 : i32
      %dma_wait3A_96 = tpu.memref_slice %arg8[%add3A_78, %dma_wait3A_95] : memref<20480x128xf32, #tpu.memory_space<hbm>> -> memref<128x128xf32, #tpu.memory_space<hbm>>
      tpu.wait_dma2 semaphore(%run_scoped3A : memref<!tpu.dma_semaphore, #tpu.memory_space<semaphore_mem>>) src(%arg12 : memref<128x128xf32, #tpu.memory_space<vmem>>) dst(%dma_wait3A_96 : memref<128x128xf32, #tpu.memory_space<hbm>>)
      tpu.yield
    }) : () -> ()
    %add3A_79 = arith.constant 256 : i32
    %add3A_80 = arith.addi %mul3A_2, %add3A_79 : i32
    "tpu.region"() ({
      %run_scoped3A = tpu.sem_alloc : memref<!tpu.dma_semaphore, #tpu.memory_space<semaphore_mem>>
      %dma_start3A = arith.constant 0 : i32
      %dma_start3A_91 = tpu.memref_slice %arg9[%add3A_80, %dma_start3A] : memref<10240x128xf32, #tpu.memory_space<vmem_shared>> -> memref<128x128xf32, #tpu.memory_space<vmem_shared>>
      %dma_start3A_92 = arith.constant 0 : i32
      %dma_start3A_93 = tpu.memref_slice %arg9[%add3A_80, %dma_start3A_92] : memref<10240x128xf32, #tpu.memory_space<vmem_shared>> -> memref<128x128xf32, #tpu.memory_space<vmem_shared>>
      tpu.enqueue_dma source(%dma_start3A_93 : memref<128x128xf32, #tpu.memory_space<vmem_shared>>) target(%arg12 : memref<128x128xf32, #tpu.memory_space<vmem>>) target_semaphore(%run_scoped3A : memref<!tpu.dma_semaphore, #tpu.memory_space<semaphore_mem>>)
      %dma_wait3A = arith.constant 0 : i32
      %dma_wait3A_94 = tpu.memref_slice %arg9[%add3A_80, %dma_wait3A] : memref<10240x128xf32, #tpu.memory_space<vmem_shared>> -> memref<128x128xf32, #tpu.memory_space<vmem_shared>>
      %dma_wait3A_95 = arith.constant 0 : i32
      %dma_wait3A_96 = tpu.memref_slice %arg9[%add3A_80, %dma_wait3A_95] : memref<10240x128xf32, #tpu.memory_space<vmem_shared>> -> memref<128x128xf32, #tpu.memory_space<vmem_shared>>
      tpu.wait_dma2 semaphore(%run_scoped3A : memref<!tpu.dma_semaphore, #tpu.memory_space<semaphore_mem>>) src(%dma_wait3A_96 : memref<128x128xf32, #tpu.memory_space<vmem_shared>>) dst(%arg12 : memref<128x128xf32, #tpu.memory_space<vmem>>)
      tpu.yield
    }) : () -> ()
    %add3A_81 = arith.constant 256 : i32
    %add3A_82 = arith.addi %add3A_70, %add3A_81 : i32
    "tpu.region"() ({
      %run_scoped3A = tpu.sem_alloc : memref<!tpu.dma_semaphore, #tpu.memory_space<semaphore_mem>>
      %dma_start3A = arith.constant 0 : i32
      %dma_start3A_91 = tpu.memref_slice %arg8[%add3A_82, %dma_start3A] : memref<20480x128xf32, #tpu.memory_space<hbm>> -> memref<128x128xf32, #tpu.memory_space<hbm>>
      %dma_start3A_92 = arith.constant 0 : i32
      %dma_start3A_93 = tpu.memref_slice %arg8[%add3A_82, %dma_start3A_92] : memref<20480x128xf32, #tpu.memory_space<hbm>> -> memref<128x128xf32, #tpu.memory_space<hbm>>
      tpu.enqueue_dma source(%arg12 : memref<128x128xf32, #tpu.memory_space<vmem>>) target(%dma_start3A_93 : memref<128x128xf32, #tpu.memory_space<hbm>>) target_semaphore(%run_scoped3A : memref<!tpu.dma_semaphore, #tpu.memory_space<semaphore_mem>>)
      %dma_wait3A = arith.constant 0 : i32
      %dma_wait3A_94 = tpu.memref_slice %arg8[%add3A_82, %dma_wait3A] : memref<20480x128xf32, #tpu.memory_space<hbm>> -> memref<128x128xf32, #tpu.memory_space<hbm>>
      %dma_wait3A_95 = arith.constant 0 : i32
      %dma_wait3A_96 = tpu.memref_slice %arg8[%add3A_82, %dma_wait3A_95] : memref<20480x128xf32, #tpu.memory_space<hbm>> -> memref<128x128xf32, #tpu.memory_space<hbm>>
      tpu.wait_dma2 semaphore(%run_scoped3A : memref<!tpu.dma_semaphore, #tpu.memory_space<semaphore_mem>>) src(%arg12 : memref<128x128xf32, #tpu.memory_space<vmem>>) dst(%dma_wait3A_96 : memref<128x128xf32, #tpu.memory_space<hbm>>)
      tpu.yield
    }) : () -> ()
    %add3A_83 = arith.constant 384 : i32
    %add3A_84 = arith.addi %mul3A_2, %add3A_83 : i32
    "tpu.region"() ({
      %run_scoped3A = tpu.sem_alloc : memref<!tpu.dma_semaphore, #tpu.memory_space<semaphore_mem>>
      %dma_start3A = arith.constant 0 : i32
      %dma_start3A_91 = tpu.memref_slice %arg9[%add3A_84, %dma_start3A] : memref<10240x128xf32, #tpu.memory_space<vmem_shared>> -> memref<128x128xf32, #tpu.memory_space<vmem_shared>>
      %dma_start3A_92 = arith.constant 0 : i32
      %dma_start3A_93 = tpu.memref_slice %arg9[%add3A_84, %dma_start3A_92] : memref<10240x128xf32, #tpu.memory_space<vmem_shared>> -> memref<128x128xf32, #tpu.memory_space<vmem_shared>>
      tpu.enqueue_dma source(%dma_start3A_93 : memref<128x128xf32, #tpu.memory_space<vmem_shared>>) target(%arg12 : memref<128x128xf32, #tpu.memory_space<vmem>>) target_semaphore(%run_scoped3A : memref<!tpu.dma_semaphore, #tpu.memory_space<semaphore_mem>>)
      %dma_wait3A = arith.constant 0 : i32
      %dma_wait3A_94 = tpu.memref_slice %arg9[%add3A_84, %dma_wait3A] : memref<10240x128xf32, #tpu.memory_space<vmem_shared>> -> memref<128x128xf32, #tpu.memory_space<vmem_shared>>
      %dma_wait3A_95 = arith.constant 0 : i32
      %dma_wait3A_96 = tpu.memref_slice %arg9[%add3A_84, %dma_wait3A_95] : memref<10240x128xf32, #tpu.memory_space<vmem_shared>> -> memref<128x128xf32, #tpu.memory_space<vmem_shared>>
      tpu.wait_dma2 semaphore(%run_scoped3A : memref<!tpu.dma_semaphore, #tpu.memory_space<semaphore_mem>>) src(%dma_wait3A_96 : memref<128x128xf32, #tpu.memory_space<vmem_shared>>) dst(%arg12 : memref<128x128xf32, #tpu.memory_space<vmem>>)
      tpu.yield
    }) : () -> ()
    %add3A_85 = arith.constant 384 : i32
    %add3A_86 = arith.addi %add3A_70, %add3A_85 : i32
    "tpu.region"() ({
      %run_scoped3A = tpu.sem_alloc : memref<!tpu.dma_semaphore, #tpu.memory_space<semaphore_mem>>
      %dma_start3A = arith.constant 0 : i32
      %dma_start3A_91 = tpu.memref_slice %arg8[%add3A_86, %dma_start3A] : memref<20480x128xf32, #tpu.memory_space<hbm>> -> memref<128x128xf32, #tpu.memory_space<hbm>>
      %dma_start3A_92 = arith.constant 0 : i32
      %dma_start3A_93 = tpu.memref_slice %arg8[%add3A_86, %dma_start3A_92] : memref<20480x128xf32, #tpu.memory_space<hbm>> -> memref<128x128xf32, #tpu.memory_space<hbm>>
      tpu.enqueue_dma source(%arg12 : memref<128x128xf32, #tpu.memory_space<vmem>>) target(%dma_start3A_93 : memref<128x128xf32, #tpu.memory_space<hbm>>) target_semaphore(%run_scoped3A : memref<!tpu.dma_semaphore, #tpu.memory_space<semaphore_mem>>)
      %dma_wait3A = arith.constant 0 : i32
      %dma_wait3A_94 = tpu.memref_slice %arg8[%add3A_86, %dma_wait3A] : memref<20480x128xf32, #tpu.memory_space<hbm>> -> memref<128x128xf32, #tpu.memory_space<hbm>>
      %dma_wait3A_95 = arith.constant 0 : i32
      %dma_wait3A_96 = tpu.memref_slice %arg8[%add3A_86, %dma_wait3A_95] : memref<20480x128xf32, #tpu.memory_space<hbm>> -> memref<128x128xf32, #tpu.memory_space<hbm>>
      tpu.wait_dma2 semaphore(%run_scoped3A : memref<!tpu.dma_semaphore, #tpu.memory_space<semaphore_mem>>) src(%arg12 : memref<128x128xf32, #tpu.memory_space<vmem>>) dst(%dma_wait3A_96 : memref<128x128xf32, #tpu.memory_space<hbm>>)
      tpu.yield
    }) : () -> ()
    %add3A_87 = arith.constant 512 : i32
    %add3A_88 = arith.addi %mul3A_2, %add3A_87 : i32
    "tpu.region"() ({
      %run_scoped3A = tpu.sem_alloc : memref<!tpu.dma_semaphore, #tpu.memory_space<semaphore_mem>>
      %dma_start3A = arith.constant 0 : i32
      %dma_start3A_91 = tpu.memref_slice %arg9[%add3A_88, %dma_start3A] : memref<10240x128xf32, #tpu.memory_space<vmem_shared>> -> memref<128x128xf32, #tpu.memory_space<vmem_shared>>
      %dma_start3A_92 = arith.constant 0 : i32
      %dma_start3A_93 = tpu.memref_slice %arg9[%add3A_88, %dma_start3A_92] : memref<10240x128xf32, #tpu.memory_space<vmem_shared>> -> memref<128x128xf32, #tpu.memory_space<vmem_shared>>
      tpu.enqueue_dma source(%dma_start3A_93 : memref<128x128xf32, #tpu.memory_space<vmem_shared>>) target(%arg12 : memref<128x128xf32, #tpu.memory_space<vmem>>) target_semaphore(%run_scoped3A : memref<!tpu.dma_semaphore, #tpu.memory_space<semaphore_mem>>)
      %dma_wait3A = arith.constant 0 : i32
      %dma_wait3A_94 = tpu.memref_slice %arg9[%add3A_88, %dma_wait3A] : memref<10240x128xf32, #tpu.memory_space<vmem_shared>> -> memref<128x128xf32, #tpu.memory_space<vmem_shared>>
      %dma_wait3A_95 = arith.constant 0 : i32
      %dma_wait3A_96 = tpu.memref_slice %arg9[%add3A_88, %dma_wait3A_95] : memref<10240x128xf32, #tpu.memory_space<vmem_shared>> -> memref<128x128xf32, #tpu.memory_space<vmem_shared>>
      tpu.wait_dma2 semaphore(%run_scoped3A : memref<!tpu.dma_semaphore, #tpu.memory_space<semaphore_mem>>) src(%dma_wait3A_96 : memref<128x128xf32, #tpu.memory_space<vmem_shared>>) dst(%arg12 : memref<128x128xf32, #tpu.memory_space<vmem>>)
      tpu.yield
    }) : () -> ()
    %add3A_89 = arith.constant 512 : i32
    %add3A_90 = arith.addi %add3A_70, %add3A_89 : i32
    "tpu.region"() ({
      %run_scoped3A = tpu.sem_alloc : memref<!tpu.dma_semaphore, #tpu.memory_space<semaphore_mem>>
      %dma_start3A = arith.constant 0 : i32
      %dma_start3A_91 = tpu.memref_slice %arg8[%add3A_90, %dma_start3A] : memref<20480x128xf32, #tpu.memory_space<hbm>> -> memref<128x128xf32, #tpu.memory_space<hbm>>
      %dma_start3A_92 = arith.constant 0 : i32
      %dma_start3A_93 = tpu.memref_slice %arg8[%add3A_90, %dma_start3A_92] : memref<20480x128xf32, #tpu.memory_space<hbm>> -> memref<128x128xf32, #tpu.memory_space<hbm>>
      tpu.enqueue_dma source(%arg12 : memref<128x128xf32, #tpu.memory_space<vmem>>) target(%dma_start3A_93 : memref<128x128xf32, #tpu.memory_space<hbm>>) target_semaphore(%run_scoped3A : memref<!tpu.dma_semaphore, #tpu.memory_space<semaphore_mem>>)
      %dma_wait3A = arith.constant 0 : i32
      %dma_wait3A_94 = tpu.memref_slice %arg8[%add3A_90, %dma_wait3A] : memref<20480x128xf32, #tpu.memory_space<hbm>> -> memref<128x128xf32, #tpu.memory_space<hbm>>
      %dma_wait3A_95 = arith.constant 0 : i32
      %dma_wait3A_96 = tpu.memref_slice %arg8[%add3A_90, %dma_wait3A_95] : memref<20480x128xf32, #tpu.memory_space<hbm>> -> memref<128x128xf32, #tpu.memory_space<hbm>>
      tpu.wait_dma2 semaphore(%run_scoped3A : memref<!tpu.dma_semaphore, #tpu.memory_space<semaphore_mem>>) src(%arg12 : memref<128x128xf32, #tpu.memory_space<vmem>>) dst(%dma_wait3A_96 : memref<128x128xf32, #tpu.memory_space<hbm>>)
      tpu.yield
    }) : () -> ()
    return
  }
}

module attributes {stable_mosaic.version = 14 : i64} {
  func.func @_tc_layer2_head(%arg0: memref<20480x128xf32, #tpu.memory_space<vmem>>, %arg1: memref<20480xf32, #tpu.memory_space<vmem>>, %arg2: memref<10000x128xf32, #tpu.memory_space<vmem>>, %arg3: memref<128x128xf32, #tpu.memory_space<vmem>>, %arg4: memref<1x128xf32, #tpu.memory_space<vmem>>, %arg5: memref<128x128xf32, #tpu.memory_space<vmem>>, %arg6: memref<128x128xf32, #tpu.memory_space<vmem>>, %arg7: memref<1x128xf32, #tpu.memory_space<vmem>>, %arg8: memref<128x8xf32, #tpu.memory_space<vmem>>, %arg9: memref<1x8xf32, #tpu.memory_space<vmem>>, %arg10: memref<10000x8xf32, #tpu.memory_space<vmem>>) attributes {dimension_semantics = [], scalar_prefetch = 0 : i64, scratch_operands = 0 : i64, tpu.core_type = #tpu.core_type<tc>} {
    %get3A = arith.constant 0 : index
    %get3A_0 = arith.constant 0 : index
    %get3A_1 = vector.load %arg0[%get3A, %get3A_0] : memref<20480x128xf32, #tpu.memory_space<vmem>>, vector<10000x128xf32>
    %get3A_2 = arith.constant 10240 : index
    %get3A_3 = arith.constant 0 : index
    %get3A_4 = vector.load %arg0[%get3A_2, %get3A_3] : memref<20480x128xf32, #tpu.memory_space<vmem>>, vector<10000x128xf32>
    %add3A = arith.addf %get3A_1, %get3A_4 : vector<10000x128xf32>
    %get3A_5 = arith.constant 0 : index
    %get3A_6 = vector.load %arg1[%get3A_5] : memref<20480xf32, #tpu.memory_space<vmem>>, vector<10000xf32>
    %get3A_7 = arith.constant 10240 : index
    %get3A_8 = vector.load %arg1[%get3A_7] : memref<20480xf32, #tpu.memory_space<vmem>>, vector<10000xf32>
    %add3A_9 = arith.addf %get3A_6, %get3A_8 : vector<10000xf32>
    %reshape3A = vector.shape_cast %add3A_9 : vector<10000xf32> to vector<10000x1xf32>
    %max3A = arith.constant 1.000000e+00 : f32
    %max3A_10 = vector.broadcast %max3A : f32 to vector<10000x1xf32>
    %max3A_11 = arith.maximumf %reshape3A, %max3A_10 : vector<10000x1xf32>
    %div3A = vector.broadcast %max3A_11 : vector<10000x1xf32> to vector<10000x128xf32>
    %div3A_12 = arith.divf %add3A, %div3A : vector<10000x128xf32>
    %get3A_13 = arith.constant 0 : index
    %get3A_14 = arith.constant 0 : index
    %get3A_15 = vector.load %arg3[%get3A_13, %get3A_14] : memref<128x128xf32, #tpu.memory_space<vmem>>, vector<128x128xf32>
    %dot_general3A = arith.constant dense<0.000000e+00> : vector<10000x128xf32>
    %dot_general3A_16 = tpu.matmul %div3A_12, %get3A_15, %dot_general3A {dimension_numbers = #tpu.dot_dimension_numbers<[1], [0], [0], [1], [0, 0, 1, 1], [], []>, transpose_lhs_hint = false} : vector<10000x128xf32>, vector<128x128xf32>, vector<10000x128xf32> -> vector<10000x128xf32>
    %get3A_17 = arith.constant 0 : index
    %get3A_18 = arith.constant 0 : index
    %get3A_19 = vector.load %arg4[%get3A_17, %get3A_18] : memref<1x128xf32, #tpu.memory_space<vmem>>, vector<1x128xf32>
    %add3A_20 = vector.broadcast %get3A_19 : vector<1x128xf32> to vector<10000x128xf32>
    %add3A_21 = arith.addf %dot_general3A_16, %add3A_20 : vector<10000x128xf32>
    %get3A_22 = arith.constant 0 : index
    %get3A_23 = arith.constant 0 : index
    %get3A_24 = vector.load %arg2[%get3A_22, %get3A_23] : memref<10000x128xf32, #tpu.memory_space<vmem>>, vector<10000x128xf32>
    %get3A_25 = arith.constant 0 : index
    %get3A_26 = arith.constant 0 : index
    %get3A_27 = vector.load %arg5[%get3A_25, %get3A_26] : memref<128x128xf32, #tpu.memory_space<vmem>>, vector<128x128xf32>
    %dot_general3A_28 = arith.constant dense<0.000000e+00> : vector<10000x128xf32>
    %dot_general3A_29 = tpu.matmul %get3A_24, %get3A_27, %dot_general3A_28 {dimension_numbers = #tpu.dot_dimension_numbers<[1], [0], [0], [1], [0, 0, 1, 1], [], []>, transpose_lhs_hint = false} : vector<10000x128xf32>, vector<128x128xf32>, vector<10000x128xf32> -> vector<10000x128xf32>
    %add3A_30 = arith.addf %add3A_21, %dot_general3A_29 : vector<10000x128xf32>
    %reduce_sum3A = arith.constant dense<0.000000e+00> : vector<128xf32>
    %reduce_sum3A_31 = vector.multi_reduction <add>, %add3A_30, %reduce_sum3A [0] : vector<10000x128xf32> to vector<128xf32>
    %broadcast_in_dim3A = vector.shape_cast %reduce_sum3A_31 : vector<128xf32> to vector<1x128xf32>
    %div3A_32 = arith.constant 1.000000e+04 : f32
    %div3A_33 = vector.broadcast %div3A_32 : f32 to vector<1x128xf32>
    %div3A_34 = arith.divf %broadcast_in_dim3A, %div3A_33 : vector<1x128xf32>
    %sub3A = vector.broadcast %div3A_34 : vector<1x128xf32> to vector<10000x128xf32>
    %sub3A_35 = arith.subf %add3A_30, %sub3A : vector<10000x128xf32>
    %mul3A = arith.mulf %sub3A_35, %sub3A_35 : vector<10000x128xf32>
    %reduce_sum3A_36 = arith.constant dense<0.000000e+00> : vector<128xf32>
    %reduce_sum3A_37 = vector.multi_reduction <add>, %mul3A, %reduce_sum3A_36 [0] : vector<10000x128xf32> to vector<128xf32>
    %broadcast_in_dim3A_38 = vector.shape_cast %reduce_sum3A_37 : vector<128xf32> to vector<1x128xf32>
    %div3A_39 = arith.constant 1.000000e+04 : f32
    %div3A_40 = vector.broadcast %div3A_39 : f32 to vector<1x128xf32>
    %div3A_41 = arith.divf %broadcast_in_dim3A_38, %div3A_40 : vector<1x128xf32>
    %add3A_42 = arith.constant 9.99999974E-6 : f32
    %add3A_43 = vector.broadcast %add3A_42 : f32 to vector<1x128xf32>
    %add3A_44 = arith.addf %div3A_41, %add3A_43 : vector<1x128xf32>
    %rsqrt3A = math.rsqrt %add3A_44 : vector<1x128xf32>
    %mul3A_45 = vector.broadcast %rsqrt3A : vector<1x128xf32> to vector<10000x128xf32>
    %mul3A_46 = arith.mulf %sub3A_35, %mul3A_45 : vector<10000x128xf32>
    %max3A_47 = arith.constant 0.000000e+00 : f32
    %max3A_48 = vector.broadcast %max3A_47 : f32 to vector<10000x128xf32>
    %max3A_49 = arith.maximumf %mul3A_46, %max3A_48 : vector<10000x128xf32>
    %get3A_50 = arith.constant 0 : index
    %get3A_51 = arith.constant 0 : index
    %get3A_52 = vector.load %arg6[%get3A_50, %get3A_51] : memref<128x128xf32, #tpu.memory_space<vmem>>, vector<128x128xf32>
    %dot_general3A_53 = arith.constant dense<0.000000e+00> : vector<10000x128xf32>
    %dot_general3A_54 = tpu.matmul %max3A_49, %get3A_52, %dot_general3A_53 {dimension_numbers = #tpu.dot_dimension_numbers<[1], [0], [0], [1], [0, 0, 1, 1], [], []>, transpose_lhs_hint = false} : vector<10000x128xf32>, vector<128x128xf32>, vector<10000x128xf32> -> vector<10000x128xf32>
    %get3A_55 = arith.constant 0 : index
    %get3A_56 = arith.constant 0 : index
    %get3A_57 = vector.load %arg7[%get3A_55, %get3A_56] : memref<1x128xf32, #tpu.memory_space<vmem>>, vector<1x128xf32>
    %add3A_58 = vector.broadcast %get3A_57 : vector<1x128xf32> to vector<10000x128xf32>
    %add3A_59 = arith.addf %dot_general3A_54, %add3A_58 : vector<10000x128xf32>
    %reduce_sum3A_60 = arith.constant dense<0.000000e+00> : vector<128xf32>
    %reduce_sum3A_61 = vector.multi_reduction <add>, %add3A_59, %reduce_sum3A_60 [0] : vector<10000x128xf32> to vector<128xf32>
    %broadcast_in_dim3A_62 = vector.shape_cast %reduce_sum3A_61 : vector<128xf32> to vector<1x128xf32>
    %div3A_63 = arith.constant 1.000000e+04 : f32
    %div3A_64 = vector.broadcast %div3A_63 : f32 to vector<1x128xf32>
    %div3A_65 = arith.divf %broadcast_in_dim3A_62, %div3A_64 : vector<1x128xf32>
    %sub3A_66 = vector.broadcast %div3A_65 : vector<1x128xf32> to vector<10000x128xf32>
    %sub3A_67 = arith.subf %add3A_59, %sub3A_66 : vector<10000x128xf32>
    %mul3A_68 = arith.mulf %sub3A_67, %sub3A_67 : vector<10000x128xf32>
    %reduce_sum3A_69 = arith.constant dense<0.000000e+00> : vector<128xf32>
    %reduce_sum3A_70 = vector.multi_reduction <add>, %mul3A_68, %reduce_sum3A_69 [0] : vector<10000x128xf32> to vector<128xf32>
    %broadcast_in_dim3A_71 = vector.shape_cast %reduce_sum3A_70 : vector<128xf32> to vector<1x128xf32>
    %div3A_72 = arith.constant 1.000000e+04 : f32
    %div3A_73 = vector.broadcast %div3A_72 : f32 to vector<1x128xf32>
    %div3A_74 = arith.divf %broadcast_in_dim3A_71, %div3A_73 : vector<1x128xf32>
    %add3A_75 = arith.constant 9.99999974E-6 : f32
    %add3A_76 = vector.broadcast %add3A_75 : f32 to vector<1x128xf32>
    %add3A_77 = arith.addf %div3A_74, %add3A_76 : vector<1x128xf32>
    %rsqrt3A_78 = math.rsqrt %add3A_77 : vector<1x128xf32>
    %mul3A_79 = vector.broadcast %rsqrt3A_78 : vector<1x128xf32> to vector<10000x128xf32>
    %mul3A_80 = arith.mulf %sub3A_67, %mul3A_79 : vector<10000x128xf32>
    %max3A_81 = arith.constant 0.000000e+00 : f32
    %max3A_82 = vector.broadcast %max3A_81 : f32 to vector<10000x128xf32>
    %max3A_83 = arith.maximumf %mul3A_80, %max3A_82 : vector<10000x128xf32>
    %get3A_84 = arith.constant 0 : index
    %get3A_85 = arith.constant 0 : index
    %get3A_86 = vector.load %arg8[%get3A_84, %get3A_85] : memref<128x8xf32, #tpu.memory_space<vmem>>, vector<128x8xf32>
    %dot_general3A_87 = arith.constant dense<0.000000e+00> : vector<10000x8xf32>
    %dot_general3A_88 = tpu.matmul %max3A_83, %get3A_86, %dot_general3A_87 {dimension_numbers = #tpu.dot_dimension_numbers<[1], [0], [0], [1], [0, 0, 1, 1], [], []>, transpose_lhs_hint = false} : vector<10000x128xf32>, vector<128x8xf32>, vector<10000x8xf32> -> vector<10000x8xf32>
    %get3A_89 = arith.constant 0 : index
    %get3A_90 = arith.constant 0 : index
    %get3A_91 = vector.load %arg9[%get3A_89, %get3A_90] : memref<1x8xf32, #tpu.memory_space<vmem>>, vector<1x8xf32>
    %add3A_92 = vector.broadcast %get3A_91 : vector<1x8xf32> to vector<10000x8xf32>
    %add3A_93 = arith.addf %dot_general3A_88, %add3A_92 : vector<10000x8xf32>
    %swap3A = arith.constant 0 : index
    %swap3A_94 = arith.constant 0 : index
    %swap3A_95 = vector.load %arg10[%swap3A, %swap3A_94] : memref<10000x8xf32, #tpu.memory_space<vmem>>, vector<10000x8xf32>
    tpu.vector_store %arg10[%swap3A, %swap3A_94], %add3A_93 {strides = array<i32>} : memref<10000x8xf32, #tpu.memory_space<vmem>>, vector<10000x8xf32>,
    return
  }
}

module attributes {stable_mosaic.version = 14 : i64} {
  func.func @_tc_layer1(%arg0: memref<20480x128xf32, #tpu.memory_space<vmem>>, %arg1: memref<20480xf32, #tpu.memory_space<vmem>>, %arg2: memref<10000x128xf32, #tpu.memory_space<vmem>>, %arg3: memref<128x128xf32, #tpu.memory_space<vmem>>, %arg4: memref<1x128xf32, #tpu.memory_space<vmem>>, %arg5: memref<128x128xf32, #tpu.memory_space<vmem>>, %arg6: memref<10000x128xf32, #tpu.memory_space<vmem>>) attributes {dimension_semantics = [], scalar_prefetch = 0 : i64, scratch_operands = 0 : i64, tpu.core_type = #tpu.core_type<tc>} {
    %get3A = arith.constant 0 : index
    %get3A_0 = arith.constant 0 : index
    %get3A_1 = vector.load %arg0[%get3A, %get3A_0] : memref<20480x128xf32, #tpu.memory_space<vmem>>, vector<10000x128xf32>
    %get3A_2 = arith.constant 10240 : index
    %get3A_3 = arith.constant 0 : index
    %get3A_4 = vector.load %arg0[%get3A_2, %get3A_3] : memref<20480x128xf32, #tpu.memory_space<vmem>>, vector<10000x128xf32>
    %add3A = arith.addf %get3A_1, %get3A_4 : vector<10000x128xf32>
    %get3A_5 = arith.constant 0 : index
    %get3A_6 = vector.load %arg1[%get3A_5] : memref<20480xf32, #tpu.memory_space<vmem>>, vector<10000xf32>
    %get3A_7 = arith.constant 10240 : index
    %get3A_8 = vector.load %arg1[%get3A_7] : memref<20480xf32, #tpu.memory_space<vmem>>, vector<10000xf32>
    %add3A_9 = arith.addf %get3A_6, %get3A_8 : vector<10000xf32>
    %reshape3A = vector.shape_cast %add3A_9 : vector<10000xf32> to vector<10000x1xf32>
    %max3A = arith.constant 1.000000e+00 : f32
    %max3A_10 = vector.broadcast %max3A : f32 to vector<10000x1xf32>
    %max3A_11 = arith.maximumf %reshape3A, %max3A_10 : vector<10000x1xf32>
    %div3A = vector.broadcast %max3A_11 : vector<10000x1xf32> to vector<10000x128xf32>
    %div3A_12 = arith.divf %add3A, %div3A : vector<10000x128xf32>
    %get3A_13 = arith.constant 0 : index
    %get3A_14 = arith.constant 0 : index
    %get3A_15 = vector.load %arg3[%get3A_13, %get3A_14] : memref<128x128xf32, #tpu.memory_space<vmem>>, vector<128x128xf32>
    %dot_general3A = arith.constant dense<0.000000e+00> : vector<10000x128xf32>
    %dot_general3A_16 = tpu.matmul %div3A_12, %get3A_15, %dot_general3A {dimension_numbers = #tpu.dot_dimension_numbers<[1], [0], [0], [1], [0, 0, 1, 1], [], []>, transpose_lhs_hint = false} : vector<10000x128xf32>, vector<128x128xf32>, vector<10000x128xf32> -> vector<10000x128xf32>
    %get3A_17 = arith.constant 0 : index
    %get3A_18 = arith.constant 0 : index
    %get3A_19 = vector.load %arg4[%get3A_17, %get3A_18] : memref<1x128xf32, #tpu.memory_space<vmem>>, vector<1x128xf32>
    %add3A_20 = vector.broadcast %get3A_19 : vector<1x128xf32> to vector<10000x128xf32>
    %add3A_21 = arith.addf %dot_general3A_16, %add3A_20 : vector<10000x128xf32>
    %get3A_22 = arith.constant 0 : index
    %get3A_23 = arith.constant 0 : index
    %get3A_24 = vector.load %arg2[%get3A_22, %get3A_23] : memref<10000x128xf32, #tpu.memory_space<vmem>>, vector<10000x128xf32>
    %get3A_25 = arith.constant 0 : index
    %get3A_26 = arith.constant 0 : index
    %get3A_27 = vector.load %arg5[%get3A_25, %get3A_26] : memref<128x128xf32, #tpu.memory_space<vmem>>, vector<128x128xf32>
    %dot_general3A_28 = arith.constant dense<0.000000e+00> : vector<10000x128xf32>
    %dot_general3A_29 = tpu.matmul %get3A_24, %get3A_27, %dot_general3A_28 {dimension_numbers = #tpu.dot_dimension_numbers<[1], [0], [0], [1], [0, 0, 1, 1], [], []>, transpose_lhs_hint = false} : vector<10000x128xf32>, vector<128x128xf32>, vector<10000x128xf32> -> vector<10000x128xf32>
    %add3A_30 = arith.addf %add3A_21, %dot_general3A_29 : vector<10000x128xf32>
    %reduce_sum3A = arith.constant dense<0.000000e+00> : vector<128xf32>
    %reduce_sum3A_31 = vector.multi_reduction <add>, %add3A_30, %reduce_sum3A [0] : vector<10000x128xf32> to vector<128xf32>
    %broadcast_in_dim3A = vector.shape_cast %reduce_sum3A_31 : vector<128xf32> to vector<1x128xf32>
    %div3A_32 = arith.constant 1.000000e+04 : f32
    %div3A_33 = vector.broadcast %div3A_32 : f32 to vector<1x128xf32>
    %div3A_34 = arith.divf %broadcast_in_dim3A, %div3A_33 : vector<1x128xf32>
    %sub3A = vector.broadcast %div3A_34 : vector<1x128xf32> to vector<10000x128xf32>
    %sub3A_35 = arith.subf %add3A_30, %sub3A : vector<10000x128xf32>
    %mul3A = arith.mulf %sub3A_35, %sub3A_35 : vector<10000x128xf32>
    %reduce_sum3A_36 = arith.constant dense<0.000000e+00> : vector<128xf32>
    %reduce_sum3A_37 = vector.multi_reduction <add>, %mul3A, %reduce_sum3A_36 [0] : vector<10000x128xf32> to vector<128xf32>
    %broadcast_in_dim3A_38 = vector.shape_cast %reduce_sum3A_37 : vector<128xf32> to vector<1x128xf32>
    %div3A_39 = arith.constant 1.000000e+04 : f32
    %div3A_40 = vector.broadcast %div3A_39 : f32 to vector<1x128xf32>
    %div3A_41 = arith.divf %broadcast_in_dim3A_38, %div3A_40 : vector<1x128xf32>
    %add3A_42 = arith.constant 9.99999974E-6 : f32
    %add3A_43 = vector.broadcast %add3A_42 : f32 to vector<1x128xf32>
    %add3A_44 = arith.addf %div3A_41, %add3A_43 : vector<1x128xf32>
    %rsqrt3A = math.rsqrt %add3A_44 : vector<1x128xf32>
    %mul3A_45 = vector.broadcast %rsqrt3A : vector<1x128xf32> to vector<10000x128xf32>
    %mul3A_46 = arith.mulf %sub3A_35, %mul3A_45 : vector<10000x128xf32>
    %max3A_47 = arith.constant 0.000000e+00 : f32
    %max3A_48 = vector.broadcast %max3A_47 : f32 to vector<10000x128xf32>
    %max3A_49 = arith.maximumf %mul3A_46, %max3A_48 : vector<10000x128xf32>
    %swap3A = arith.constant 0 : index
    %swap3A_50 = arith.constant 0 : index
    %swap3A_51 = vector.load %arg6[%swap3A, %swap3A_50] : memref<10000x128xf32, #tpu.memory_space<vmem>>, vector<10000x128xf32>
    tpu.vector_store %arg6[%swap3A, %swap3A_50], %max3A_49 {strides = array<i32>} : memref<10000x128xf32, #tpu.memory_space<vmem>>, vector<10000x128xf32>,
    return
  }
}

</mosaic_0001>

<sc_bundles>
// kernel: kernel.6.cloned.1.call-start
scs
__scs_entry_jumppad:
0x0: {  	(pc) =	sbr.rel $0x88, $3  }
0x1: {  	(tag) =	ssettag $0x0;
	lr =	simm.s32 $0x1  }
0x2: {  	[smem:$0x3F95] =	sst lr;
	_ =	strace $0xD0000000  }
0x3: {  	_ = 	snop  }
0x4: {  	_ = 	snop  }
0x5: {  	_ = 	snop  }
0x6: {  	_ = 	snop  }
0x7: {  	_ = 	snop  }
__scs_overlays_trampoline_lowered:
0x8: {  	[smem:$0x3FA4] =	sst s0  }
0x9: {  	[smem:$0x3FA5] =	sst s1  }
0xa: {  	[smem:$0x3FA6] =	sst s2  }
0xb: {  	[smem:$0x3FA7] =	sst s3  }
0xc: {  	[smem:$0x3FA8] =	sst s4  }
0xd: {  	[smem:$0x3FA9] =	sst s5  }
0xe: {  	[smem:$0x3FAA] =	sst s6  }
0xf: {  	[smem:$0x3FAB] =	sst s7  }
0x10: {  	[smem:$0x3FAC] =	sst s8  }
0x11: {  	[smem:$0x3FAD] =	sst s9;
	s0 =	simm.s32 @!p0 $0x0  }
0x12: {  	s1 =	sld [smem:$0x3F93];
	s0 =	simm.s32 @p0 $0x1  }
0x13: {  	[smem:$0x3FAE] =	sst s0;
	s0 =	simm.s32 @!p1 $0x0  }
0x14: {  	s2 =	sld [smem:$0x3F92];
	s0 =	simm.s32 @p1 $0x1  }
0x15: {  	[smem:$0x3FAF] =	sst s0;
	s0 =	simm.s32 @!p2 $0x0  }
0x16: {  	s3 =	sld [smem:$0x3FDB];
	s0 =	simm.s32 @p2 $0x1  }
0x17: {  	s4 =	simm.s32 $0x1BF5;
	[smem:$0x3FB1] =	sst s0  }
0x18: {  	s0 =	sld [smem:$0x3F94];
	_ =	swait.ge [sflag:s4], $0x0  }
0x19: {  	s7 =	sld [smem:$0x3F95]  }
0x1a: {  	s8 =	sadd.s32 $0xFFFFE003, lr  }
0x1b: {  	s9 =	sadd.s32 $0xFFFFFEF7, lr;
	s5 =	simm.s32 $0xFFFFFFFF;
	p2 =	slt.u32 s8, $0xFFFFF086  }
0x1c: {  	p1 =	slt.u32 s9, $0xF7A;
	s5 =	simm.s32 @!p2 $0x0  }
0x1d: {  	s5 =	simm.s32 @p1 $0x1;
	p0 =	seq.s32 s7, s2  }
0x1e: {  	s7 =	smul.u32 @!p0 $0xF7A, s2;
	p2 =	seq.s32 @!p0 s5, $0x0  }
0x1f: {  	s9 =	smul.u32 $0xF7A, s1;
	s8 =	simm.s32 @!p0 $0x1BF5;
	p2 =	por !p2, p0  }
0x20: {  	[sflag:s8] =	ssyncset.s32 @!p0 $0xFFFFF086;
	s6 =	sadd.s32 @!p0 s3, s7;
	s7 =	simm.s32 @!p0 $0x108  }
0x21: {  	s3 =	sadd.s32 s3, s9;
	s6 =	sadd.s32 @!p0 $0x88, s6;
	s7 =	simm.s32 @p2 $0x1082  }
0x22: {  	[simem:s7], [sflag:s8] =	dma.local @!p0 [hbm:s6], $0xF7A  }
0x23: {  	s9 =	sor.u32 $0xD0000000, s2;
	s6 =	simm.s32 $0x108;
	_ =	swait.ge @!p0 [sflag:s8], $0x0  }
0x24: {  	s3 =	sadd.s32 $0x88, s3;
	s6 =	simm.s32 @!p1 $0x1082;
	[sflag:s4] =	ssyncset.s32 $0xFFFFF086  }
0x25: {  	[simem:s6], [sflag:s4] =	dma.local [hbm:s3], $0xF7A  }
0x26: {  	[smem:$0x3F95] =	sst s1;
	(tag) =	ssettag s2;
	_ =	strace s9  }
0x27: {  	s1 =	sld [smem:$0x3FA5]  }
0x28: {  	s2 =	sld [smem:$0x3FA6]  }
0x29: {  	s4 =	sld [smem:$0x3FA8]  }
0x2a: {  	p0 =	seq.s32 s5, $0x0;
	s5 =	sld [smem:$0x3FA9]  }
0x2b: {  	s6 =	sld [smem:$0x3FAA]  }
0x2c: {  	s7 =	sld [smem:$0x3FAB]  }
0x2d: {  	s3 =	simm.s32 $0x108;
	s8 =	sld [smem:$0x3FAC]  }
0x2e: {  	s3 =	simm.s32 @!p0 $0x1082;
	s9 =	sld [smem:$0x3FAD]  }
0x2f: {  	lr =	sadd.s32 s0, s3;
	s0 =	sld [smem:$0x3FA4]  }
0x30: {  	s3 =	sld [smem:$0x3FA7]  }
0x31: {  	[smem:$0x3FB0] =	sst s10  }
0x32: {  	s10 =	sld [smem:$0x3FAE];
	_ =	sdelay $0x3  }
0x33: {  	p0 =	seq.s32 s10, $0x1;
	s10 =	sld [smem:$0x3FB0];
	_ =	sdelay $0x3  }
0x34: {  	[smem:$0x3FB0] =	sst s10  }
0x35: {  	s10 =	sld [smem:$0x3FAF];
	_ =	sdelay $0x3  }
0x36: {  	p1 =	seq.s32 s10, $0x1;
	s10 =	sld [smem:$0x3FB0];
	_ =	sdelay $0x3  }
0x37: {  	[smem:$0x3FB0] =	sst s10  }
0x38: {  	s10 =	sld [smem:$0x3FB1]  }
0x39: {  	_ = 	snop;
	(pc) =	sbr.ind lr, $3  }
0x3a: {  	_ = 	snop  }
0x3b: {  	_ = 	snop  }
0x3c: {  	p2 =	seq.s32 s10, $0x1;
	s10 =	sld [smem:$0x3FB0]  }
0x3d: {  	_ =	shalt  }
0x3e: {  	_ =	shalt  }
0x3f: {  	_ =	shalt  }
0x40: {  	_ =	shalt  }
0x41: {  	_ =	shalt  }
0x42: {  	_ =	shalt  }
0x43: {  	_ =	shalt  }
0x44: {  	_ =	shalt  }
0x45: {  	_ =	shalt  }
0x46: {  	_ =	shalt  }
0x47: {  	_ =	shalt  }
0x48: {  	_ =	shalt  }
0x49: {  	_ =	shalt  }
0x4a: {  	_ =	shalt  }
0x4b: {  	_ =	shalt  }
0x4c: {  	_ =	shalt  }
0x4d: {  	_ =	shalt  }
0x4e: {  	_ =	shalt  }
0x4f: {  	_ =	shalt  }
0x50: {  	_ =	shalt  }
0x51: {  	_ =	shalt  }
0x52: {  	_ =	shalt  }
0x53: {  	_ =	shalt  }
0x54: {  	_ =	shalt  }
0x55: {  	_ =	shalt  }
0x56: {  	_ =	shalt  }
0x57: {  	_ =	shalt  }
0x58: {  	_ =	shalt  }
0x59: {  	_ =	shalt  }
0x5a: {  	_ =	shalt  }
0x5b: {  	_ =	shalt  }
0x5c: {  	_ =	shalt  }
0x5d: {  	_ =	shalt  }
0x5e: {  	_ =	shalt  }
0x5f: {  	_ =	shalt  }
0x60: {  	_ =	shalt  }
0x61: {  	_ =	shalt  }
0x62: {  	_ =	shalt  }
0x63: {  	_ =	shalt  }
0x64: {  	_ =	shalt  }
0x65: {  	_ =	shalt  }
0x66: {  	_ =	shalt  }
0x67: {  	_ =	shalt  }
0x68: {  	_ =	shalt  }
0x69: {  	_ =	shalt  }
0x6a: {  	_ =	shalt  }
0x6b: {  	_ =	shalt  }
0x6c: {  	_ =	shalt  }
0x6d: {  	_ =	shalt  }
0x6e: {  	_ =	shalt  }
0x6f: {  	_ =	shalt  }
0x70: {  	_ =	shalt  }
0x71: {  	_ =	shalt  }
0x72: {  	_ =	shalt  }
0x73: {  	_ =	shalt  }
0x74: {  	_ =	shalt  }
0x75: {  	_ =	shalt  }
0x76: {  	_ =	shalt  }
0x77: {  	_ =	shalt  }
0x78: {  	_ =	shalt  }
0x79: {  	_ =	shalt  }
0x7a: {  	_ =	shalt  }
0x7b: {  	_ =	shalt  }
0x7c: {  	_ =	shalt  }
0x7d: {  	_ =	shalt  }
0x7e: {  	_ =	shalt  }
0x7f: {  	_ =	shalt  }
0x80: {  	_ =	shalt  }
0x81: {  	_ =	shalt  }
0x82: {  	_ =	shalt  }
0x83: {  	_ =	shalt  }
0x84: {  	_ =	shalt  }
0x85: {  	_ =	shalt  }
0x86: {  	_ =	shalt  }
0x87: {  	_ =	shalt  }
.Lfunc_end0:
.L_simem_size_0:
called_computation_lowered:
.L_overlay_start_0:
0x88: {  	s2 =	sld [smem:$0x3FD9]  }
0x89: {  	s3 =	sld [smem:$0x3FFE];
	_ =	sdelay $0x1  }
0x8a: {  	s1 =	srdreg.scid  }
0x8b: {  	s0 =	sand.u32 $0x1, s1  }
0x8c: {  	s17 =	sshll.u32 s0, $0xA;
	s2 =	sadd.s32 s3, s2  }
0x8d: {  	s2 =	sadd.s32 s2, s17  }
0x8e: {  	[smem:$0x3FBC] =	sst s2  }
0x8f: {  	_ = 	snop  }
0x90: {  	s2 =	sld [smem:$0x3FC9]  }
0x91: {  	s18 =	sld [smem:$0x3FD0];
	(tm) =	ssettm $0x1  }
0x92: {  	s4 =	sld [smem:$0x3FFB];
	_ =	sdelay $0x3  }
0x93: {  	_ =	strace s4  }
0x94: {  	s4 =	sld [smem:$0x3FFC];
	_ =	sdelay $0x3  }
0x95: {  	_ =	strace s4  }
0x96: {  	s4 =	sld [smem:$0x3FFD];
	_ =	sdelay $0x3  }
0x97: {  	_ =	strace s4  }
0x98: {  	_ =	strace $0x8FFFFFFF  }
0x99: {  	s19 =	sld [smem:$0x3FDB];
	_ =	sdelay $0x1  }
0x9a: {  	s5 =	simm.s32 $_scs_section_size  }
0x9b: {  	s6 =	simm.s32 $_size__tile_overlayer_lowered;
	s7 =	simm.s32 $_tile_overlayer_lowered  }
0x9c: {  	s22 =	simm.s32 $0x1BFF;
	s21 =	sshll.u32 s7, $0x1;
	s4 =	sadd.s32 s5, s19  }
0x9d: {  	s8 =	simm.s32 $0x0;
	s20 =	sshll.u32 s6, $0x1;
	s6 =	sadd.s32 s21, s4  }
0x9e: {  	[timem:s8], [sflag:s22] =	dma.local [hbm:s6], s20  }
0x9f: {  	_ =	swait.ge [sflag:s22], s20  }
0xa0: {  	s5 =	ssub.s32 $0x0, s20;
	[sflag:s22] =	ssyncset.done $0x0  }
0xa1: {  	[sflag:s22] =	ssyncadd.s32 s5;
	_ =	sdelay $0x1  }
0xa2: {  	s23 =	simm.s32 $0x1B8B  }
0xa3: {  	_ =	swait.ge [sflag:s23], $0x1  }
0xa4: {  	[sflag:s23] =	ssyncset.done $0x0  }
0xa5: {  	s25 =	simm.s32 $0x1B8E;
	s24 =	sld [smem:$0x3FFE];
	[sflag:s23] =	ssyncadd.s32 $0xFFFFFFFF  }
0xa6: {  	s26 =	simm.s32 $execute0_lowered;
	[smem:$0x3FD2] =	sst s25  }
0xa7: {  	s6 =	sshll.u32 s26, $0x1;
	_ =	strace $0x80000046;
	[dreg:$0x1] =	wrdreg $0xFFFFFFFF  }
0xa8: {  	s28 =	simm.s32 $_size_execute0_lowered;
	s4 =	sadd.s32 s4, s6;
	[dreg:$0x0] =	wrdreg $0x0  }
0xa9: {  	s6 =	sshll.u32 s28, $0x1;
	[dreg:$0x2] =	wrdreg s4  }
0xaa: {  	[dreg:$0x3] =	wrdreg s6  }
0xab: {  	[dreg:$0x4] =	wrdreg $0xC0  }
0xac: {  	_ =	task [dreg:s8], $0x5FFFF  }
0xad: {  	[dreg:$0x1] =	wrdreg $0xFFFFFFFF  }
0xae: {  	[dreg:$0x0] =	wrdreg $0x60  }
0xaf: {  	[dreg:$0x2] =	wrdreg s2  }
0xb0: {  	[dreg:$0x3] =	wrdreg s24  }
0xb1: {  	[dreg:$0x4] =	wrdreg s18  }
0xb2: {  	[dreg:$0x5] =	wrdreg $0x0  }
0xb3: {  	[dreg:$0x6] =	wrdreg $0x181000  }
0xb4: {  	[dreg:$0x7] =	wrdreg $0x9  }
0xb5: {  	_ =	task.clear_ibuf [dreg:s8], $0x8FFFF;
	_ =	strace $0x90000046  }
0xb6: {  	s29 =	simm.s32 $0x9;
	_ =	strace $0x80000048  }
0xb7: {  	_ =	swait.ge [sflag:s29], $0x1  }
0xb8: {  	[sflag:s29] =	ssyncadd.s32 $0xFFFFFFFF  }
0xb9: {  	_ =	strace $0x90000048  }
0xba: {  	_ =	sfence  }
0xbb: {  	s30 =	sld [smem:$0x0];
	_ =	sdelay $0x2  }
0xbc: {  	s31 =	sshll.u32 s1, $0xD;
	s1 =	sshrl.u32 s1, $0x2  }
0xbd: {  	s3 =	sand.u32 $0x4000, s31;
	s1 =	sadd.s32 s1, s30  }
0xbe: {  	s0 =	sor.u32 s3, s0;
	s1 =	sshll.u32 s1, $0x11  }
0xbf: {  	s0 =	sor.u32 s1, s0  }
0xc0: {  	s0 =	sadd.s32 $0x8F2B, s0  }
0xc1: {  	[sflag:s0] =	ssyncadd.remote.s32 $0x1  }
0xc2: {  	_ =	sfence.sel $0xFFFF  }
0xc3: {  	[dreg:$0x0] =	wrdreg $0xFFFFFFFF;
	(pc) =	sbr.abs _section_cstart, $3  }
0xc4: {  	[dreg:$0x1] =	wrdreg $0xFFFFFFFF  }
0xc5: {  	_ =	task.clear_ibuf [dreg:s8], $0x2FFFF;
	_ =	strace $0x9FFFFFFF  }
0xc6: {  	(tm) =	ssettm $0x7FFFFFFF  }
0xc7: {  	_ =	shalt  }
tec
execute0_lowered:
.L_overlay_start_1:
0x0: {  	(tag) =	ssettag $0x1  }
0x1: {  	s1 =	rddreg [dreg:$0x0]  }
0x2: {  	s0 =	srdreg.scid;
	s2 =	rddreg [dreg:$0x1]  }
0x3: {  	s13 =	stileid.u32;
	s4 =	rddreg [dreg:$0x3]  }
0x4: {  	s5 =	rddreg [dreg:$0x4];
	s30 =	simm.s32 $0x14100;
	s6 =	smul.u32 $0x9C4, s13  }
0x5: {  	s0 =	sand.u32 $0x1, s0;
	s7 =	smul.u32 $0x280, s13;
	s8 =	sadd.s32 $0x16200, s2  }
0x6: {  	s10 =	sadd.s32 $0x16400, s2;
	s23 =	sadd.s32 $0x16600, s2;
	s3 =	smul.u32 $0xFFFF9C40, s0  }
0x7: {  	s22 =	ssub.s32 $0x2, s0;
	s9 =	smul.u32 $0x2800, s0;
	s0 =	sshll.u32 s0, $0x4  }
0x8: {  	s24 =	smul.u32 $0x50000, s13;
	s11 =	sshrl.u32 s22, $0x1;
	s0 =	sor.u32 s13, s0  }
0x9: {  	s3 =	sand.u32 $0xFFC0, s3;
	s9 =	sadd.s32 s7, s9;
	s0 =	smul.u32 $0x9C4, s0  }
0xa: {  	s3 =	sadd.s32 s6, s3;
	s6 =	simm.s32 $0x0;
	s12 =	sadd.s32 $0x80, s9  }
0xb: {  	s25 =	sshll.u32 s9, $0x4;
	s19 =	sadd.s32 $0x180, s9;
	s15 =	sadd.s32 $0x200, s9  }
0xc: {  	s3 =	sshrl.u32 s3, $0x1;
	[smem:$0x7FF] =	sst s6;
	s14 =	sshll.u32 s12, $0x4  }
0xd: {  	s13 =	sadd.s32 s23, s25;
	s17 =	sshll.u32 s19, $0x4;
	s18 =	sshll.u32 s15, $0x4  }
0xe: {  	s12 =	sshrl.u32 s12, $0x3;
	_ =	strace $0x80000047;
	[dreg:$0x6] =	wrdreg s8  }
0xf: {  	s3 =	sand.u32 $0xFFF0, s3;
	[dreg:$0x7] =	wrdreg s10;
	s8 =	ssub.s32 s22, s11  }
0x10: {  	s11 =	sshrl.u32 s24, $0x2;
	[dreg:$0x8] =	wrdreg s13;
	s26 =	sadd.s32 s23, s14  }
0x11: {  	s14 =	sadd.s32 $0x100, s9;
	s17 =	sadd.s32 s23, s17;
	s18 =	sadd.s32 s23, s18  }
0x12: {  	s10 =	sadd.s32 $0x80, s7;
	s9 =	sshrl.u32 s9, $0x3;
	s22 =	sshrl.u32 s19, $0x3  }
0x13: {  	s24 =	sadd.s32 $0x100, s7;
	s3 =	sadd.s32 s3, s2;
	[dreg:$0x9] =	wrdreg s26  }
0x14: {  	s2 =	sadd.s32 $0x66600, s2;
	s16 =	sshll.u32 s14, $0x4;
	[dreg:$0xa] =	wrdreg s17  }
0x15: {  	s21 =	sshrl.u32 s14, $0x3;
	s17 =	sadd.s32 s11, s4;
	s25 =	sshll.u32 s10, $0x7  }
0x16: {  	s26 =	sshll.u32 s24, $0x7;
	s11 =	sadd.s32 $0x180, s7;
	s14 =	sadd.s32 $0x9C4, s0  }
0x17: {  	s0 =	sshrl.u32 s0, $0x5;
	s16 =	sadd.s32 s23, s16;
	s9 =	sadd.s32 s2, s9  }
0x18: {  	s20 =	sadd.s32 s2, s12;
	s23 =	sshrl.u32 s15, $0x3;
	s15 =	sadd.s32 s2, s22  }
0x19: {  	s19 =	sadd.s32 s25, s4;
	s22 =	sadd.s32 s24, s5;
	s12 =	sshll.u32 s11, $0x7  }
0x1a: {  	s25 =	sadd.s32 s11, s5;
	s31 =	sshrl.u32 s14, $0x5;
	[dreg:$0xf] =	wrdreg s0  }
0x1b: {  	s11 =	simm.s32 $0x14080;
	s14 =	simm.s32 $0x0;
	[dreg:$0xb] =	wrdreg s9  }
0x1c: {  	[dreg:$0xc] =	wrdreg s20;
	s9 =	sadd.s32 s2, s21;
	s2 =	sadd.s32 s2, s23  }
0x1d: {  	s20 =	sadd.s32 s10, s5;
	s21 =	sadd.s32 s26, s4;
	s23 =	sadd.s32 s7, s5  }
0x1e: {  	s7 =	sadd.s32 $0x200, s7;
	s24 =	sadd.s32 s12, s4;
	s26 =	sadd.s32 $0x2600, s3  }
0x1f: {  	s3 =	sadd.s32 $0xC400, s3;
	p0 =	sge.u32 s0, s31;
	[dreg:$0xd] =	wrdreg s9  }
.Ltmp0:
0x20: {  	s10 =	simm.s32 $0x14000;
	[dreg:$0xe] =	wrdreg s2;
	(pc) =	sbr.rel .LBB2_1-.Ltmp0, $4  }
0x21: {  	s12 =	simm.s32 $0x80;
	s13 =	sshll.u32 s7, $0x7;
	[dreg:$0x10] =	wrdreg s26  }
0x22: {  	s28 =	sadd.s32 s7, s5;
	s2 =	smax.u32 s8, $0x1;
	[dreg:$0x12] =	wrdreg s3  }
0x23: {  	s7 =	simm.s32 $0x2;
	s8 =	simm.s32 $0x18400;
	s9 =	simm.s32 $0x18380  }
0x24: {  	s29 =	sadd.s32 s13, s4;
	s13 =	simm.s32 $0x1;
	[dreg:$0x11] =	wrdreg s28  }
.LBB2_4:
0x25: {  	[sflag:s7] =	ssyncadd.s32 $0xFFFFFF80;
	s16 =	smov.u32 s18  }
0x26: {  	s18 =	smov.u32 s2;
	s15 =	smov.u32 s3;
	s2 =	smov.u32 s17  }
0x27: {  	s17 =	smov.u32 s20;
	s19 =	smov.u32 s21;
	s20 =	smov.u32 s22  }
0x28: {  	s21 =	smov.u32 s23;
	s22 =	smov.u32 s24;
	s23 =	smov.u32 s25  }
0x29: {  	s24 =	smov.u32 s26;
	s25 =	smov.u32 s28;
	s28 =	rddreg [dreg:$0x11]  }
.LBB2_5:
0x2a: {  	[bflag:$0x0] =	sbarrier.arrive $0xFFFF  }
0x2b: {  	[tilespmem:s30], [sflag:$0x2] =	stream.linear.gather [spmem:s17], $0x4000, $0x38;
	[tilespmem:$0x18480] =	vst v63  }
0x2c: {  	_ =	swait.ge [sflag:s7], $0x4000  }
0x2d: {  	[sflag:s7] =	ssyncset.done $0x0  }
0x2e: {  	s0 =	rddreg [dreg:$0x8];
	[sflag:s7] =	ssyncadd.s32 $0xFFFFC000  }
0x2f: {  	[hbm4b:s0+s6] =	stream.linear.scatter [tilespmem:s30], [sflag:$0x2], $0x4000, $0x38;
	[tilespmem:$0x18480] =	vst v63  }
0x30: {  	_ =	swait.ge [sflag:s7], $0x4000  }
0x31: {  	[sflag:s7] =	ssyncset.done $0x0  }
0x32: {  	[sflag:s7] =	ssyncadd.s32 $0xFFFFC000  }
0x33: {  	[tilespmem:s8], [sflag:$0x2] =	stream.linear.gather [spmem:s23], $0x80, $0x38;
	[tilespmem:$0x18480] =	vst v63  }
0x34: {  	_ =	swait.ge [sflag:s7], $0x80  }
0x35: {  	[sflag:s7] =	ssyncset.done $0x0  }
0x36: {  	s3 =	rddreg [dreg:$0xb];
	[sflag:s7] =	ssyncadd.s32 $0xFFFFFF80  }
0x37: {  	[hbm4b:s3+s6] =	stream.linear.scatter [tilespmem:s8], [sflag:$0x2], $0x80, $0x38;
	[tilespmem:$0x18480] =	vst v63  }
0x38: {  	_ =	swait.ge [sflag:s7], $0x80  }
0x39: {  	[sflag:s7] =	ssyncset.done $0x0  }
0x3a: {  	[sflag:s7] =	ssyncadd.s32 $0xFFFFFF80  }
0x3b: {  	[tilespmem:s30], [sflag:$0x2] =	stream.linear.gather [spmem:s19], $0x4000, $0x38;
	[tilespmem:$0x18480] =	vst v63  }
0x3c: {  	_ =	swait.ge [sflag:s7], $0x4000  }
0x3d: {  	[sflag:s7] =	ssyncset.done $0x0  }
0x3e: {  	s26 =	rddreg [dreg:$0x9];
	[sflag:s7] =	ssyncadd.s32 $0xFFFFC000  }
0x3f: {  	[hbm4b:s26+s6] =	stream.linear.scatter [tilespmem:s30], [sflag:$0x2], $0x4000, $0x38;
	[tilespmem:$0x18480] =	vst v63  }
0x40: {  	_ =	swait.ge [sflag:s7], $0x4000  }
0x41: {  	[sflag:s7] =	ssyncset.done $0x0  }
0x42: {  	[sflag:s7] =	ssyncadd.s32 $0xFFFFC000  }
0x43: {  	[tilespmem:s8], [sflag:$0x2] =	stream.linear.gather [spmem:s20], $0x80, $0x38;
	[tilespmem:$0x18480] =	vst v63  }
0x44: {  	_ =	swait.ge [sflag:s7], $0x80  }
0x45: {  	[sflag:s7] =	ssyncset.done $0x0  }
0x46: {  	s3 =	rddreg [dreg:$0xc];
	[sflag:s7] =	ssyncadd.s32 $0xFFFFFF80  }
0x47: {  	[hbm4b:s3+s6] =	stream.linear.scatter [tilespmem:s8], [sflag:$0x2], $0x80, $0x38;
	[tilespmem:$0x18480] =	vst v63  }
0x48: {  	_ =	swait.ge [sflag:s7], $0x80  }
0x49: {  	[sflag:s7] =	ssyncset.done $0x0  }
0x4a: {  	[sflag:s7] =	ssyncadd.s32 $0xFFFFFF80  }
0x4b: {  	[tilespmem:s30], [sflag:$0x2] =	stream.linear.gather [spmem:s21], $0x4000, $0x38;
	[tilespmem:$0x18480] =	vst v63  }
0x4c: {  	_ =	swait.ge [sflag:s7], $0x4000  }
0x4d: {  	[sflag:s7] =	ssyncset.done $0x0  }
0x4e: {  	[sflag:s7] =	ssyncadd.s32 $0xFFFFC000  }
0x4f: {  	[hbm4b:s16+s6] =	stream.linear.scatter [tilespmem:s30], [sflag:$0x2], $0x4000, $0x38;
	[tilespmem:$0x18480] =	vst v63  }
0x50: {  	_ =	swait.ge [sflag:s7], $0x4000  }
0x51: {  	[sflag:s7] =	ssyncset.done $0x0  }
0x52: {  	[sflag:s7] =	ssyncadd.s32 $0xFFFFC000  }
0x53: {  	[tilespmem:s8], [sflag:$0x2] =	stream.linear.gather [spmem:s22], $0x80, $0x38;
	[tilespmem:$0x18480] =	vst v63  }
0x54: {  	_ =	swait.ge [sflag:s7], $0x80  }
0x55: {  	[sflag:s7] =	ssyncset.done $0x0  }
0x56: {  	s26 =	rddreg [dreg:$0xd];
	[sflag:s7] =	ssyncadd.s32 $0xFFFFFF80  }
0x57: {  	[hbm4b:s26+s6] =	stream.linear.scatter [tilespmem:s8], [sflag:$0x2], $0x80, $0x38;
	[tilespmem:$0x18480] =	vst v63  }
0x58: {  	_ =	swait.ge [sflag:s7], $0x80  }
0x59: {  	[sflag:s7] =	ssyncset.done $0x0  }
0x5a: {  	[sflag:s7] =	ssyncadd.s32 $0xFFFFFF80  }
0x5b: {  	[tilespmem:s30], [sflag:$0x2] =	stream.linear.gather [spmem:s24], $0x4000, $0x38;
	[tilespmem:$0x18480] =	vst v63  }
0x5c: {  	_ =	swait.ge [sflag:s7], $0x4000  }
0x5d: {  	[sflag:s7] =	ssyncset.done $0x0  }
0x5e: {  	s3 =	rddreg [dreg:$0xa];
	[sflag:s7] =	ssyncadd.s32 $0xFFFFC000  }
0x5f: {  	[hbm4b:s3+s6] =	stream.linear.scatter [tilespmem:s30], [sflag:$0x2], $0x4000, $0x38;
	[tilespmem:$0x18480] =	vst v63  }
0x60: {  	_ =	swait.ge [sflag:s7], $0x4000  }
0x61: {  	[sflag:s7] =	ssyncset.done $0x0  }
0x62: {  	[sflag:s7] =	ssyncadd.s32 $0xFFFFC000  }
0x63: {  	[tilespmem:s8], [sflag:$0x2] =	stream.linear.gather [spmem:s25], $0x80, $0x38;
	[tilespmem:$0x18480] =	vst v63  }
0x64: {  	_ =	swait.ge [sflag:s7], $0x80  }
0x65: {  	[sflag:s7] =	ssyncset.done $0x0  }
0x66: {  	[sflag:s7] =	ssyncadd.s32 $0xFFFFFF80  }
0x67: {  	[hbm4b:s15+s6] =	stream.linear.scatter [tilespmem:s8], [sflag:$0x2], $0x80, $0x38;
	[tilespmem:$0x18480] =	vst v63  }
0x68: {  	_ =	swait.ge [sflag:s7], $0x80  }
0x69: {  	[sflag:s7] =	ssyncset.done $0x0  }
0x6a: {  	[sflag:s7] =	ssyncadd.s32 $0xFFFFFF80  }
0x6b: {  	[tilespmem:s30], [sflag:$0x2] =	stream.linear.gather [spmem:s29], $0x4000, $0x38;
	[tilespmem:$0x18480] =	vst v63  }
0x6c: {  	_ =	swait.ge [sflag:s7], $0x4000  }
0x6d: {  	[sflag:s7] =	ssyncset.done $0x0  }
0x6e: {  	[sflag:s7] =	ssyncadd.s32 $0xFFFFC000  }
0x6f: {  	[hbm4b:s18+s6] =	stream.linear.scatter [tilespmem:s30], [sflag:$0x2], $0x4000, $0x38;
	[tilespmem:$0x18480] =	vst v63  }
0x70: {  	_ =	swait.ge [sflag:s7], $0x4000  }
0x71: {  	[sflag:s7] =	ssyncset.done $0x0  }
0x72: {  	[sflag:s7] =	ssyncadd.s32 $0xFFFFC000  }
0x73: {  	[tilespmem:s8], [sflag:$0x2] =	stream.linear.gather [spmem:s28], $0x80, $0x38;
	[tilespmem:$0x18480] =	vst v63  }
0x74: {  	s14 =	sadd.s32 $0x1, s14;
	_ =	swait.ge [sflag:s7], $0x80  }
0x75: {  	p1 =	sne.s32 s14, s2;
	[sflag:s7] =	ssyncset.done $0x0  }
.Ltmp1:
0x76: {  	s26 =	rddreg [dreg:$0xe];
	[sflag:s7] =	ssyncadd.s32 $0xFFFFFF80;
	(pc) =	sbr.rel @!p1 .LBB2_6-.Ltmp1, $4  }
0x77: {  	[hbm4b:s26+s6] =	stream.linear.scatter [tilespmem:s8], [sflag:$0x2], $0x80, $0x38;
	[tilespmem:$0x18480] =	vst v63  }
0x78: {  	_ =	swait.ge [sflag:s7], $0x80  }
0x79: {  	[sflag:s7] =	ssyncset.done $0x0  }
0x7a: {  	[sflag:s7] =	ssyncadd.s32 $0xFFFFFF80  }
.LBB2_1:
0x7b: {  	s0 =	rddreg [dreg:$0x2]  }
0x7c: {  	[tilespmem:s30], [sflag:$0x2] =	stream.linear.gather [hbm4b:s0+s6], $0x4000, $0x38;
	[tilespmem:$0x18480] =	vst v63  }
0x7d: {  	_ =	swait.ge [sflag:s7], $0x4000  }
0x7e: {  	[sflag:s7] =	ssyncset.done $0x0  }
0x7f: {  	s3 =	rddreg [dreg:$0x6];
	[sflag:s7] =	ssyncadd.s32 $0xFFFFC000  }
0x80: {  	[tilespmem:s8], [sflag:$0x2] =	stream.linear.gather [hbm4b:s3+s6], $0x80, $0x38;
	[tilespmem:$0x18480] =	vst v63  }
0x81: {  	_ =	swait.ge [sflag:s7], $0x80  }
0x82: {  	[sflag:s7] =	ssyncset.done $0x0  }
0x83: {  	s26 =	rddreg [dreg:$0x7];
	[sflag:s7] =	ssyncadd.s32 $0xFFFFFF80  }
0x84: {  	[tilespmem:s9], [sflag:$0x2] =	stream.linear.gather [hbm4b:s26+s6], $0x80, $0x38;
	[tilespmem:$0x18480] =	vst v63  }
0x85: {  	_ =	swait.ge [sflag:s7], $0x80  }
0x86: {  	[sflag:s7] =	ssyncset.done $0x0  }
0x87: {  	[sflag:s7] =	ssyncadd.s32 $0xFFFFFF80  }
0x88: {  	[spmem:s17] =	stream.linear.scatter [tilespmem:s30], [sflag:$0x2], $0x4000, $0x38;
	[tilespmem:$0x18480] =	vst v63  }
0x89: {  	_ =	swait.ge [sflag:s7], $0x4000  }
0x8a: {  	[sflag:s7] =	ssyncset.done $0x0  }
0x8b: {  	[sflag:s7] =	ssyncadd.s32 $0xFFFFC000  }
0x8c: {  	[spmem:s23] =	stream.linear.scatter [tilespmem:s8], [sflag:$0x2], $0x80, $0x38;
	[tilespmem:$0x18480] =	vst v63  }
0x8d: {  	_ =	swait.ge [sflag:s7], $0x80  }
0x8e: {  	[sflag:s7] =	ssyncset.done $0x0  }
0x8f: {  	[sflag:s7] =	ssyncadd.s32 $0xFFFFFF80  }
0x90: {  	[spmem:s19] =	stream.linear.scatter [tilespmem:s30], [sflag:$0x2], $0x4000, $0x38;
	[tilespmem:$0x18480] =	vst v63  }
0x91: {  	_ =	swait.ge [sflag:s7], $0x4000  }
0x92: {  	[sflag:s7] =	ssyncset.done $0x0  }
0x93: {  	[sflag:s7] =	ssyncadd.s32 $0xFFFFC000  }
0x94: {  	[spmem:s20] =	stream.linear.scatter [tilespmem:s8], [sflag:$0x2], $0x80, $0x38;
	[tilespmem:$0x18480] =	vst v63  }
0x95: {  	_ =	swait.ge [sflag:s7], $0x80  }
0x96: {  	[sflag:s7] =	ssyncset.done $0x0  }
0x97: {  	[sflag:s7] =	ssyncadd.s32 $0xFFFFFF80  }
0x98: {  	[spmem:s21] =	stream.linear.scatter [tilespmem:s30], [sflag:$0x2], $0x4000, $0x38;
	[tilespmem:$0x18480] =	vst v63  }
0x99: {  	_ =	swait.ge [sflag:s7], $0x4000  }
0x9a: {  	[sflag:s7] =	ssyncset.done $0x0  }
0x9b: {  	[sflag:s7] =	ssyncadd.s32 $0xFFFFC000  }
0x9c: {  	[spmem:s22] =	stream.linear.scatter [tilespmem:s8], [sflag:$0x2], $0x80, $0x38;
	[tilespmem:$0x18480] =	vst v63  }
0x9d: {  	_ =	swait.ge [sflag:s7], $0x80  }
0x9e: {  	[sflag:s7] =	ssyncset.done $0x0  }
0x9f: {  	[sflag:s7] =	ssyncadd.s32 $0xFFFFFF80  }
0xa0: {  	[spmem:s24] =	stream.linear.scatter [tilespmem:s30], [sflag:$0x2], $0x4000, $0x38;
	[tilespmem:$0x18480] =	vst v63  }
0xa1: {  	_ =	swait.ge [sflag:s7], $0x4000  }
0xa2: {  	[sflag:s7] =	ssyncset.done $0x0  }
0xa3: {  	[sflag:s7] =	ssyncadd.s32 $0xFFFFC000  }
0xa4: {  	[spmem:s25] =	stream.linear.scatter [tilespmem:s8], [sflag:$0x2], $0x80, $0x38;
	[tilespmem:$0x18480] =	vst v63  }
0xa5: {  	_ =	swait.ge [sflag:s7], $0x80  }
0xa6: {  	[sflag:s7] =	ssyncset.done $0x0  }
0xa7: {  	[sflag:s7] =	ssyncadd.s32 $0xFFFFFF80  }
0xa8: {  	[spmem:s29] =	stream.linear.scatter [tilespmem:s30], [sflag:$0x2], $0x4000, $0x38;
	[tilespmem:$0x18480] =	vst v63  }
0xa9: {  	_ =	swait.ge [sflag:s7], $0x4000  }
0xaa: {  	[sflag:s7] =	ssyncset.done $0x0  }
0xab: {  	[sflag:s7] =	ssyncadd.s32 $0xFFFFC000  }
0xac: {  	[spmem:s28] =	stream.linear.scatter [tilespmem:s8], [sflag:$0x2], $0x80, $0x38;
	[tilespmem:$0x18480] =	vst v63  }
.Ltmp2:
0xad: {  	_ =	swait.ge [sflag:s7], $0x80;
	(pc) =	sbr.rel @p0 .LBB2_5-.Ltmp2, $3  }
0xae: {  	[sflag:s7] =	ssyncset.done $0x0  }
0xaf: {  	[sflag:s7] =	ssyncadd.s32 $0xFFFFFF80  }
0xb0: {  	[bflag:$0x0] =	sbarrier.arrive $0xFFFF;
	_ =	sdelay $0x1  }
0xb1: {  	s26 =	smov.u32 s24;
	s24 =	smov.u32 s22  }
0xb2: {  	s22 =	smov.u32 s20;
	s20 =	smov.u32 s17;
	s17 =	smov.u32 s2  }
0xb3: {  	s2 =	smov.u32 s18;
	s18 =	smov.u32 s16;
	s16 =	rddreg [dreg:$0x12]  }
0xb4: {  	[tilespmem:s10], [sflag:$0x2] =	stream.linear.gather [hbm4b:s16+s6], $0x80, $0x38;
	[tilespmem:$0x18480] =	vst v63  }
0xb5: {  	s28 =	smov.u32 s25;
	_ =	swait.ge [sflag:s7], $0x80  }
0xb6: {  	s25 =	smov.u32 s23;
	s23 =	smov.u32 s21;
	[sflag:s7] =	ssyncset.done $0x0  }
0xb7: {  	s21 =	smov.u32 s19;
	s19 =	rddreg [dreg:$0x10];
	[sflag:s7] =	ssyncadd.s32 $0xFFFFFF80  }
0xb8: {  	[tilespmem:s11], [sflag:$0x2] =	stream.linear.gather [hbm4b:s19+s6], $0x80, $0x38;
	[tilespmem:$0x18480] =	vst v63  }
0xb9: {  	_ =	swait.ge [sflag:s7], $0x80  }
0xba: {  	[sflag:s7] =	ssyncset.done $0x0  }
0xbb: {  	[sflag:s7] =	ssyncadd.s32 $0xFFFFFF80  }
0xbc: {  	[tilespmem:s30], [sflag:$0x1] =	stream.indirect.gather [hbm4b:s1+s12], $0x80, s10, s12, $0xb8;
	[tilespmem:$0x18480] =	vst v63  }
0xbd: {  	_ =	swait.ge [sflag:s13], $0x4000  }
0xbe: {  	[sflag:s13] =	ssyncset.done $0x0  }
0xbf: {  	[sflag:s13] =	ssyncadd.s32 $0xFFFFC000  }
0xc0: {  	[spmem:s4] =	stream.indirect.scatter.add.f32 [tilespmem:s30], [sflag:$0x2], $0x80, s11, s12, $0xb8;
	[tilespmem:$0x18480] =	vst v63  }
0xc1: {  	_ =	swait.ge [sflag:s7], $0x4000  }
0xc2: {  	s0 =	rddreg [dreg:$0xf]  }
0xc3: {  	s3 =	smov.u32 s15;
	s15 =	sadd.s32 $0x1, s0  }
0xc4: {  	p1 =	slt.u32 s15, s31  }
.Ltmp3:
0xc5: {  	[sflag:s7] =	ssyncset.done $0x0;
	(pc) =	sbr.rel @!p1 .LBB2_4-.Ltmp3, $4  }
0xc6: {  	[sflag:s7] =	ssyncadd.s32 $0xFFFFC000  }
0xc7: {  	[spmem:s5] =	stream.indirect.scatter.add.f32 [tilespmem:s9], [sflag:$0x2], $0x1, s11, s12, $0xb8;
	[tilespmem:$0x18480] =	vst v63  }
0xc8: {  	_ =	swait.ge [sflag:s7], $0x80  }
0xc9: {  	s16 =	sadd.s32 $0x10, s16;
	[sflag:s7] =	ssyncset.done $0x0  }
.LBB2_3:
0xca: {  	s15 =	sadd.s32 $0x1, s15;
	[sflag:s7] =	ssyncadd.s32 $0xFFFFFF80;
	s19 =	sadd.s32 $0x10, s19  }
0xcb: {  	[tilespmem:s10], [sflag:$0x2] =	stream.linear.gather [hbm4b:s16+s6], $0x80, $0x38;
	[tilespmem:$0x18480] =	vst v63  }
0xcc: {  	p1 =	slt.u32 s15, s31;
	_ =	swait.ge [sflag:s7], $0x80  }
0xcd: {  	[sflag:s7] =	ssyncset.done $0x0  }
0xce: {  	[sflag:s7] =	ssyncadd.s32 $0xFFFFFF80  }
0xcf: {  	[tilespmem:s11], [sflag:$0x2] =	stream.linear.gather [hbm4b:s19+s6], $0x80, $0x38;
	[tilespmem:$0x18480] =	vst v63  }
0xd0: {  	_ =	swait.ge [sflag:s7], $0x80  }
0xd1: {  	[sflag:s7] =	ssyncset.done $0x0  }
0xd2: {  	[sflag:s7] =	ssyncadd.s32 $0xFFFFFF80  }
0xd3: {  	[tilespmem:s30], [sflag:$0x1] =	stream.indirect.gather [hbm4b:s1+s12], $0x80, s10, s12, $0xb8;
	[tilespmem:$0x18480] =	vst v63  }
0xd4: {  	_ =	swait.ge [sflag:s13], $0x4000  }
0xd5: {  	[sflag:s13] =	ssyncset.done $0x0  }
0xd6: {  	[sflag:s13] =	ssyncadd.s32 $0xFFFFC000  }
0xd7: {  	[spmem:s4] =	stream.indirect.scatter.add.f32 [tilespmem:s30], [sflag:$0x2], $0x80, s11, s12, $0xb8;
	[tilespmem:$0x18480] =	vst v63  }
0xd8: {  	_ =	swait.ge [sflag:s7], $0x4000  }
.Ltmp4:
0xd9: {  	[sflag:s7] =	ssyncset.done $0x0;
	(pc) =	sbr.rel @p1 .LBB2_3-.Ltmp4, $4  }
0xda: {  	[sflag:s7] =	ssyncadd.s32 $0xFFFFC000  }
0xdb: {  	[spmem:s5] =	stream.indirect.scatter.add.f32 [tilespmem:s9], [sflag:$0x2], $0x1, s11, s12, $0xb8;
	[tilespmem:$0x18480] =	vst v63  }
0xdc: {  	_ =	swait.ge [sflag:s7], $0x80  }
0xdd: {  	s16 =	sadd.s32 $0x10, s16;
	[sflag:s7] =	ssyncset.done $0x0  }
.Ltmp5:
0xde: {  	_ = 	snop;
	(pc) =	sbr.rel .LBB2_4-.Ltmp5, $1  }
0xdf: {  	_ =	sdelay $0x3  }
.LBB2_6:
0xe0: {  	_ =	sfence.sel $0x180000  }
0xe1: {  	[bflag:$0x0] =	sbarrier.arrive $0xFFFF  }
0xe2: {  	_ =	strace $0x90000047  }
0xe3: {  	s0 =	stileid.u32;
	[bflag:$0x2] =	sbarrier.arrive $0xFFFF  }
0xe4: {  	p0 =	sne.s32 s0, $0x0;
	s0 =	rddreg [dreg:$0x5]  }
0xe5: {  	s0 =	sadd.s32 @!p0 $0x100000, s0  }
0xe6: {  	[sflag:s0] =	ssyncadd.tile.s32 @!p0 $0x1;
	_ =	shalt  }
.Lfunc_end2:
_tile_overlayer_lowered:
.L_overlay_start_2:
0xe7: {  	(tag) =	ssettag $0x2  }
0xe8: {  	s0 =	rddreg [dreg:$0x0];
	s2 =	stileid.u32  }
0xe9: {  	s1 =	rddreg [dreg:$0x1];
	p0 =	sne.s32 s2, $0x0  }
0xea: {  	s3 =	rddreg [dreg:$0x2];
	[bflag:$0x3] =	sbarrier.arrive $0xFFFF;
	s2 =	simm.s32 @!p0 $0x1C02  }
0xeb: {  	[timem:s3], [sflag:s2] =	dma.local @!p0 [hbm:s0], s1  }
0xec: {  	s0 =	simm.s32 @!p0 $0x2  }
0xed: {  	_ =	swait.ge @!p0 [sflag:s0], s1  }
0xee: {  	s1 =	ssub.s32 @!p0 $0x0, s1;
	[sflag:s0] =	ssyncset.done @!p0 $0x0  }
0xef: {  	[sflag:s0] =	ssyncadd.s32 @!p0 s1  }
0xf0: {  	[bflag:$0x3] =	sbarrier.arrive $0xFFFF  }
0xf1: {  	_ =	shalt  }

// kernel: kernel.9.cloned.1.call-start
scs
__scs_entry_jumppad:
0x0: {  	(pc) =	sbr.rel $0x88, $3  }
0x1: {  	(tag) =	ssettag $0x0;
	lr =	simm.s32 $0x1  }
0x2: {  	[smem:$0x3F95] =	sst lr;
	_ =	strace $0xD0000000  }
0x3: {  	_ = 	snop  }
0x4: {  	_ = 	snop  }
0x5: {  	_ = 	snop  }
0x6: {  	_ = 	snop  }
0x7: {  	_ = 	snop  }
__scs_overlays_trampoline_lowered:
0x8: {  	[smem:$0x3FA4] =	sst s0  }
0x9: {  	[smem:$0x3FA5] =	sst s1  }
0xa: {  	[smem:$0x3FA6] =	sst s2  }
0xb: {  	[smem:$0x3FA7] =	sst s3  }
0xc: {  	[smem:$0x3FA8] =	sst s4  }
0xd: {  	[smem:$0x3FA9] =	sst s5  }
0xe: {  	[smem:$0x3FAA] =	sst s6  }
0xf: {  	[smem:$0x3FAB] =	sst s7  }
0x10: {  	[smem:$0x3FAC] =	sst s8  }
0x11: {  	[smem:$0x3FAD] =	sst s9;
	s0 =	simm.s32 @!p0 $0x0  }
0x12: {  	s1 =	sld [smem:$0x3F93];
	s0 =	simm.s32 @p0 $0x1  }
0x13: {  	[smem:$0x3FAE] =	sst s0;
	s0 =	simm.s32 @!p1 $0x0  }
0x14: {  	s2 =	sld [smem:$0x3F92];
	s0 =	simm.s32 @p1 $0x1  }
0x15: {  	[smem:$0x3FAF] =	sst s0;
	s0 =	simm.s32 @!p2 $0x0  }
0x16: {  	s3 =	sld [smem:$0x3FDB];
	s0 =	simm.s32 @p2 $0x1  }
0x17: {  	s4 =	simm.s32 $0x1BF5;
	[smem:$0x3FB1] =	sst s0  }
0x18: {  	s0 =	sld [smem:$0x3F94];
	_ =	swait.ge [sflag:s4], $0x0  }
0x19: {  	s7 =	sld [smem:$0x3F95]  }
0x1a: {  	s8 =	sadd.s32 $0xFFFFE003, lr  }
0x1b: {  	s9 =	sadd.s32 $0xFFFFFEF7, lr;
	s5 =	simm.s32 $0xFFFFFFFF;
	p2 =	slt.u32 s8, $0xFFFFF086  }
0x1c: {  	p1 =	slt.u32 s9, $0xF7A;
	s5 =	simm.s32 @!p2 $0x0  }
0x1d: {  	s5 =	simm.s32 @p1 $0x1;
	p0 =	seq.s32 s7, s2  }
0x1e: {  	s7 =	smul.u32 @!p0 $0xF7A, s2;
	p2 =	seq.s32 @!p0 s5, $0x0  }
0x1f: {  	s9 =	smul.u32 $0xF7A, s1;
	s8 =	simm.s32 @!p0 $0x1BF5;
	p2 =	por !p2, p0  }
0x20: {  	[sflag:s8] =	ssyncset.s32 @!p0 $0xFFFFF086;
	s6 =	sadd.s32 @!p0 s3, s7;
	s7 =	simm.s32 @!p0 $0x108  }
0x21: {  	s3 =	sadd.s32 s3, s9;
	s6 =	sadd.s32 @!p0 $0x88, s6;
	s7 =	simm.s32 @p2 $0x1082  }
0x22: {  	[simem:s7], [sflag:s8] =	dma.local @!p0 [hbm:s6], $0xF7A  }
0x23: {  	s9 =	sor.u32 $0xD0000000, s2;
	s6 =	simm.s32 $0x108;
	_ =	swait.ge @!p0 [sflag:s8], $0x0  }
0x24: {  	s3 =	sadd.s32 $0x88, s3;
	s6 =	simm.s32 @!p1 $0x1082;
	[sflag:s4] =	ssyncset.s32 $0xFFFFF086  }
0x25: {  	[simem:s6], [sflag:s4] =	dma.local [hbm:s3], $0xF7A  }
0x26: {  	[smem:$0x3F95] =	sst s1;
	(tag) =	ssettag s2;
	_ =	strace s9  }
0x27: {  	s1 =	sld [smem:$0x3FA5]  }
0x28: {  	s2 =	sld [smem:$0x3FA6]  }
0x29: {  	s4 =	sld [smem:$0x3FA8]  }
0x2a: {  	p0 =	seq.s32 s5, $0x0;
	s5 =	sld [smem:$0x3FA9]  }
0x2b: {  	s6 =	sld [smem:$0x3FAA]  }
0x2c: {  	s7 =	sld [smem:$0x3FAB]  }
0x2d: {  	s3 =	simm.s32 $0x108;
	s8 =	sld [smem:$0x3FAC]  }
0x2e: {  	s3 =	simm.s32 @!p0 $0x1082;
	s9 =	sld [smem:$0x3FAD]  }
0x2f: {  	lr =	sadd.s32 s0, s3;
	s0 =	sld [smem:$0x3FA4]  }
0x30: {  	s3 =	sld [smem:$0x3FA7]  }
0x31: {  	[smem:$0x3FB0] =	sst s10  }
0x32: {  	s10 =	sld [smem:$0x3FAE];
	_ =	sdelay $0x3  }
0x33: {  	p0 =	seq.s32 s10, $0x1;
	s10 =	sld [smem:$0x3FB0];
	_ =	sdelay $0x3  }
0x34: {  	[smem:$0x3FB0] =	sst s10  }
0x35: {  	s10 =	sld [smem:$0x3FAF];
	_ =	sdelay $0x3  }
0x36: {  	p1 =	seq.s32 s10, $0x1;
	s10 =	sld [smem:$0x3FB0];
	_ =	sdelay $0x3  }
0x37: {  	[smem:$0x3FB0] =	sst s10  }
0x38: {  	s10 =	sld [smem:$0x3FB1]  }
0x39: {  	_ = 	snop;
	(pc) =	sbr.ind lr, $3  }
0x3a: {  	_ = 	snop  }
0x3b: {  	_ = 	snop  }
0x3c: {  	p2 =	seq.s32 s10, $0x1;
	s10 =	sld [smem:$0x3FB0]  }
0x3d: {  	_ =	shalt  }
0x3e: {  	_ =	shalt  }
0x3f: {  	_ =	shalt  }
0x40: {  	_ =	shalt  }
0x41: {  	_ =	shalt  }
0x42: {  	_ =	shalt  }
0x43: {  	_ =	shalt  }
0x44: {  	_ =	shalt  }
0x45: {  	_ =	shalt  }
0x46: {  	_ =	shalt  }
0x47: {  	_ =	shalt  }
0x48: {  	_ =	shalt  }
0x49: {  	_ =	shalt  }
0x4a: {  	_ =	shalt  }
0x4b: {  	_ =	shalt  }
0x4c: {  	_ =	shalt  }
0x4d: {  	_ =	shalt  }
0x4e: {  	_ =	shalt  }
0x4f: {  	_ =	shalt  }
0x50: {  	_ =	shalt  }
0x51: {  	_ =	shalt  }
0x52: {  	_ =	shalt  }
0x53: {  	_ =	shalt  }
0x54: {  	_ =	shalt  }
0x55: {  	_ =	shalt  }
0x56: {  	_ =	shalt  }
0x57: {  	_ =	shalt  }
0x58: {  	_ =	shalt  }
0x59: {  	_ =	shalt  }
0x5a: {  	_ =	shalt  }
0x5b: {  	_ =	shalt  }
0x5c: {  	_ =	shalt  }
0x5d: {  	_ =	shalt  }
0x5e: {  	_ =	shalt  }
0x5f: {  	_ =	shalt  }
0x60: {  	_ =	shalt  }
0x61: {  	_ =	shalt  }
0x62: {  	_ =	shalt  }
0x63: {  	_ =	shalt  }
0x64: {  	_ =	shalt  }
0x65: {  	_ =	shalt  }
0x66: {  	_ =	shalt  }
0x67: {  	_ =	shalt  }
0x68: {  	_ =	shalt  }
0x69: {  	_ =	shalt  }
0x6a: {  	_ =	shalt  }
0x6b: {  	_ =	shalt  }
0x6c: {  	_ =	shalt  }
0x6d: {  	_ =	shalt  }
0x6e: {  	_ =	shalt  }
0x6f: {  	_ =	shalt  }
0x70: {  	_ =	shalt  }
0x71: {  	_ =	shalt  }
0x72: {  	_ =	shalt  }
0x73: {  	_ =	shalt  }
0x74: {  	_ =	shalt  }
0x75: {  	_ =	shalt  }
0x76: {  	_ =	shalt  }
0x77: {  	_ =	shalt  }
0x78: {  	_ =	shalt  }
0x79: {  	_ =	shalt  }
0x7a: {  	_ =	shalt  }
0x7b: {  	_ =	shalt  }
0x7c: {  	_ =	shalt  }
0x7d: {  	_ =	shalt  }
0x7e: {  	_ =	shalt  }
0x7f: {  	_ =	shalt  }
0x80: {  	_ =	shalt  }
0x81: {  	_ =	shalt  }
0x82: {  	_ =	shalt  }
0x83: {  	_ =	shalt  }
0x84: {  	_ =	shalt  }
0x85: {  	_ =	shalt  }
0x86: {  	_ =	shalt  }
0x87: {  	_ =	shalt  }
.Lfunc_end0:
.L_simem_size_0:
called_computation.1_lowered:
.L_overlay_start_0:
0x88: {  	s2 =	sld [smem:$0x3FD9]  }
0x89: {  	s3 =	sld [smem:$0x3FFE];
	_ =	sdelay $0x1  }
0x8a: {  	s1 =	srdreg.scid  }
0x8b: {  	s0 =	sand.u32 $0x1, s1  }
0x8c: {  	s17 =	sshll.u32 s0, $0xA;
	s2 =	sadd.s32 s3, s2  }
0x8d: {  	s2 =	sadd.s32 s2, s17  }
0x8e: {  	[smem:$0x3FBC] =	sst s2  }
0x8f: {  	_ = 	snop  }
0x90: {  	s2 =	sld [smem:$0x3FD0];
	(tm) =	ssettm $0x1  }
0x91: {  	s18 =	sld [smem:$0x3FFB];
	_ =	sdelay $0x3  }
0x92: {  	_ =	strace s18  }
0x93: {  	s3 =	sld [smem:$0x3FFC];
	_ =	sdelay $0x3  }
0x94: {  	_ =	strace s3  }
0x95: {  	s3 =	sld [smem:$0x3FFD];
	_ =	sdelay $0x3  }
0x96: {  	_ =	strace s3  }
0x97: {  	_ =	strace $0x8FFFFFFF  }
0x98: {  	s19 =	sld [smem:$0x3FDB];
	_ =	sdelay $0x1  }
0x99: {  	s4 =	simm.s32 $_scs_section_size  }
0x9a: {  	s5 =	simm.s32 $_size__tile_overlayer_lowered;
	s6 =	simm.s32 $_tile_overlayer_lowered  }
0x9b: {  	s22 =	simm.s32 $0x1BFF;
	s21 =	sshll.u32 s6, $0x1;
	s3 =	sadd.s32 s4, s19  }
0x9c: {  	s7 =	simm.s32 $0x0;
	s20 =	sshll.u32 s5, $0x1;
	s5 =	sadd.s32 s21, s3  }
0x9d: {  	[timem:s7], [sflag:s22] =	dma.local [hbm:s5], s20  }
0x9e: {  	_ =	swait.ge [sflag:s22], s20  }
0x9f: {  	s4 =	ssub.s32 $0x0, s20;
	[sflag:s22] =	ssyncset.done $0x0  }
0xa0: {  	[sflag:s22] =	ssyncadd.s32 s4;
	_ =	sdelay $0x1  }
0xa1: {  	s23 =	simm.s32 $0x1B8B  }
0xa2: {  	_ =	swait.ge [sflag:s23], $0x1  }
0xa3: {  	[sflag:s23] =	ssyncset.done $0x0  }
0xa4: {  	s25 =	simm.s32 $0x1B8E;
	s24 =	sld [smem:$0x3FFE];
	[sflag:s23] =	ssyncadd.s32 $0xFFFFFFFF  }
0xa5: {  	s26 =	simm.s32 $execute0_lowered;
	[smem:$0x3FD2] =	sst s25  }
0xa6: {  	s5 =	sshll.u32 s26, $0x1;
	_ =	strace $0x80000049;
	[dreg:$0x1] =	wrdreg $0xFFFFFFFF  }
0xa7: {  	s28 =	simm.s32 $_size_execute0_lowered;
	s3 =	sadd.s32 s3, s5;
	[dreg:$0x0] =	wrdreg $0x0  }
0xa8: {  	s5 =	sshll.u32 s28, $0x1;
	[dreg:$0x2] =	wrdreg s3  }
0xa9: {  	[dreg:$0x3] =	wrdreg s5  }
0xaa: {  	[dreg:$0x4] =	wrdreg $0xC0  }
0xab: {  	_ =	task [dreg:s7], $0x5FFFF  }
0xac: {  	[dreg:$0x1] =	wrdreg $0xFFFFFFFF  }
0xad: {  	[dreg:$0x0] =	wrdreg $0x60  }
0xae: {  	[dreg:$0x2] =	wrdreg s24  }
0xaf: {  	[dreg:$0x3] =	wrdreg s2  }
0xb0: {  	[dreg:$0x4] =	wrdreg $0x0  }
0xb1: {  	[dreg:$0x5] =	wrdreg $0x9  }
0xb2: {  	_ =	task.clear_ibuf [dreg:s7], $0x6FFFF;
	_ =	strace $0x90000049  }
0xb3: {  	s29 =	simm.s32 $0x9;
	_ =	strace $0x8000004B  }
0xb4: {  	_ =	swait.ge [sflag:s29], $0x1  }
0xb5: {  	[sflag:s29] =	ssyncadd.s32 $0xFFFFFFFF  }
0xb6: {  	_ =	strace $0x9000004B  }
0xb7: {  	_ =	sfence  }
0xb8: {  	s30 =	sld [smem:$0x0];
	_ =	sdelay $0x2  }
0xb9: {  	s31 =	sshll.u32 s1, $0xD;
	s1 =	sshrl.u32 s1, $0x2  }
0xba: {  	s3 =	sand.u32 $0x4000, s31;
	s1 =	sadd.s32 s1, s30  }
0xbb: {  	s0 =	sor.u32 s3, s0;
	s1 =	sshll.u32 s1, $0x11  }
0xbc: {  	s0 =	sor.u32 s1, s0  }
0xbd: {  	s0 =	sadd.s32 $0x8F2B, s0  }
0xbe: {  	[sflag:s0] =	ssyncadd.remote.s32 $0x1  }
0xbf: {  	_ =	sfence.sel $0xFFFF  }
0xc0: {  	[dreg:$0x0] =	wrdreg $0xFFFFFFFF;
	(pc) =	sbr.abs _section_cstart, $3  }
0xc1: {  	[dreg:$0x1] =	wrdreg $0xFFFFFFFF  }
0xc2: {  	_ =	task.clear_ibuf [dreg:s7], $0x2FFFF;
	_ =	strace $0x9FFFFFFF  }
0xc3: {  	(tm) =	ssettm $0x7FFFFFFF  }
tec
execute0_lowered:
.L_overlay_start_1:
0x0: {  	(tag) =	ssettag $0x1  }
0x1: {  	s6 =	rddreg [dreg:$0x0]  }
0x2: {  	s1 =	srdreg.scid;
	s2 =	rddreg [dreg:$0x1]  }
0x3: {  	s0 =	stileid.u32;
	s3 =	rddreg [dreg:$0x2]  }
0x4: {  	s4 =	simm.s32 $0x0;
	s21 =	simm.s32 $0x14100;
	s5 =	smul.u32 $0x9C4, s0  }
0x5: {  	s22 =	simm.s32 $0x2;
	s23 =	simm.s32 $0x14000;
	s9 =	smul.u32 $0x280, s0  }
0x6: {  	s24 =	simm.s32 $0x14080;
	s7 =	sand.u32 $0x1, s1;
	s25 =	smul.u32 $0x50000, s0  }
0x7: {  	s28 =	simm.s32 $0x0;
	s1 =	rddreg [dreg:$0x3];
	s8 =	smul.u32 $0xFFFF9C40, s7  }
0x8: {  	[smem:$0x7FF] =	sst s4;
	s10 =	smul.u32 $0x2800, s7;
	s26 =	sshll.u32 s7, $0x4  }
0x9: {  	_ =	strace $0x8000004A;
	s7 =	ssub.s32 $0x2, s7;
	s29 =	sor.u32 s0, s26  }
0xa: {  	s30 =	sshrl.u32 s25, $0x2;
	s31 =	sshrl.u32 s7, $0x1;
	s25 =	simm.s32 $0x80  }
0xb: {  	s26 =	simm.s32 $0x1;
	s8 =	sand.u32 $0xFFC0, s8;
	s9 =	sadd.s32 s9, s10  }
0xc: {  	s11 =	smul.u32 $0x9C4, s29;
	s18 =	ssub.s32 s7, s31;
	s8 =	sadd.s32 s5, s8  }
0xd: {  	s5 =	sadd.s32 $0x16600, s6;
	s9 =	sshll.u32 s9, $0x4;
	s18 =	smax.u32 s18, $0x1  }
0xe: {  	s8 =	sshrl.u32 s8, $0x1;
	s17 =	sadd.s32 s9, s6;
	s12 =	sadd.s32 $0x9C4, s11  }
0xf: {  	s11 =	sshrl.u32 s11, $0x5;
	s8 =	sand.u32 $0xFFF0, s8;
	s12 =	sshrl.u32 s12, $0x5  }
.Ltmp0:
0x10: {  	s13 =	sadd.s32 $0x67000, s17;
	s14 =	sadd.s32 $0x67800, s17;
	(pc) =	sbr.rel .LBB2_1-.Ltmp0, $4  }
0x11: {  	s15 =	sadd.s32 $0x68000, s17;
	s16 =	sadd.s32 $0x68800, s17;
	s17 =	sadd.s32 $0x69000, s17  }
0x12: {  	s20 =	sadd.s32 s8, s6;
	s6 =	sadd.s32 s30, s3;
	p0 =	sge.u32 s11, s12  }
0x13: {  	s7 =	sadd.s32 $0x4000, s6;
	s8 =	sadd.s32 $0x8000, s6;
	s9 =	sadd.s32 $0xC000, s6  }
0x14: {  	s10 =	sadd.s32 $0x10000, s6;
	s19 =	sadd.s32 $0x2600, s20;
	s20 =	sadd.s32 $0xC400, s20  }
.LBB2_4:
0x15: {  	[sflag:s22] =	ssyncadd.s32 $0xFFFFC000  }
.LBB2_5:
0x16: {  	[bflag:$0x0] =	sbarrier.arrive $0xFFFF  }
0x17: {  	[tilespmem:s21], [sflag:$0x2] =	stream.linear.gather [spmem:s6], $0x4000, $0x38;
	[tilespmem:$0x18100] =	vst v63  }
0x18: {  	_ =	swait.ge [sflag:s22], $0x4000  }
0x19: {  	[sflag:s22] =	ssyncset.done $0x0  }
0x1a: {  	[sflag:s22] =	ssyncadd.s32 $0xFFFFC000  }
0x1b: {  	[hbm4b:s13+s4] =	stream.linear.scatter [tilespmem:s21], [sflag:$0x2], $0x4000, $0x38;
	[tilespmem:$0x18100] =	vst v63  }
0x1c: {  	_ =	swait.ge [sflag:s22], $0x4000  }
0x1d: {  	[sflag:s22] =	ssyncset.done $0x0  }
0x1e: {  	[sflag:s22] =	ssyncadd.s32 $0xFFFFC000  }
0x1f: {  	[tilespmem:s21], [sflag:$0x2] =	stream.linear.gather [spmem:s7], $0x4000, $0x38;
	[tilespmem:$0x18100] =	vst v63  }
0x20: {  	_ =	swait.ge [sflag:s22], $0x4000  }
0x21: {  	[sflag:s22] =	ssyncset.done $0x0  }
0x22: {  	[sflag:s22] =	ssyncadd.s32 $0xFFFFC000  }
0x23: {  	[hbm4b:s14+s4] =	stream.linear.scatter [tilespmem:s21], [sflag:$0x2], $0x4000, $0x38;
	[tilespmem:$0x18100] =	vst v63  }
0x24: {  	_ =	swait.ge [sflag:s22], $0x4000  }
0x25: {  	[sflag:s22] =	ssyncset.done $0x0  }
0x26: {  	[sflag:s22] =	ssyncadd.s32 $0xFFFFC000  }
0x27: {  	[tilespmem:s21], [sflag:$0x2] =	stream.linear.gather [spmem:s8], $0x4000, $0x38;
	[tilespmem:$0x18100] =	vst v63  }
0x28: {  	_ =	swait.ge [sflag:s22], $0x4000  }
0x29: {  	[sflag:s22] =	ssyncset.done $0x0  }
0x2a: {  	[sflag:s22] =	ssyncadd.s32 $0xFFFFC000  }
0x2b: {  	[hbm4b:s15+s4] =	stream.linear.scatter [tilespmem:s21], [sflag:$0x2], $0x4000, $0x38;
	[tilespmem:$0x18100] =	vst v63  }
0x2c: {  	_ =	swait.ge [sflag:s22], $0x4000  }
0x2d: {  	[sflag:s22] =	ssyncset.done $0x0  }
0x2e: {  	[sflag:s22] =	ssyncadd.s32 $0xFFFFC000  }
0x2f: {  	[tilespmem:s21], [sflag:$0x2] =	stream.linear.gather [spmem:s9], $0x4000, $0x38;
	[tilespmem:$0x18100] =	vst v63  }
0x30: {  	_ =	swait.ge [sflag:s22], $0x4000  }
0x31: {  	[sflag:s22] =	ssyncset.done $0x0  }
0x32: {  	[sflag:s22] =	ssyncadd.s32 $0xFFFFC000  }
0x33: {  	[hbm4b:s16+s4] =	stream.linear.scatter [tilespmem:s21], [sflag:$0x2], $0x4000, $0x38;
	[tilespmem:$0x18100] =	vst v63  }
0x34: {  	_ =	swait.ge [sflag:s22], $0x4000  }
0x35: {  	[sflag:s22] =	ssyncset.done $0x0  }
0x36: {  	[sflag:s22] =	ssyncadd.s32 $0xFFFFC000  }
0x37: {  	[tilespmem:s21], [sflag:$0x2] =	stream.linear.gather [spmem:s10], $0x4000, $0x38;
	[tilespmem:$0x18100] =	vst v63  }
0x38: {  	s28 =	sadd.s32 $0x1, s28;
	_ =	swait.ge [sflag:s22], $0x4000  }
0x39: {  	p1 =	sne.s32 s28, s18;
	[sflag:s22] =	ssyncset.done $0x0  }
.Ltmp1:
0x3a: {  	[sflag:s22] =	ssyncadd.s32 $0xFFFFC000;
	(pc) =	sbr.rel @!p1 .LBB2_6-.Ltmp1, $4  }
0x3b: {  	[hbm4b:s17+s4] =	stream.linear.scatter [tilespmem:s21], [sflag:$0x2], $0x4000, $0x38;
	[tilespmem:$0x18100] =	vst v63  }
0x3c: {  	_ =	swait.ge [sflag:s22], $0x4000  }
0x3d: {  	[sflag:s22] =	ssyncset.done $0x0  }
0x3e: {  	[sflag:s22] =	ssyncadd.s32 $0xFFFFC000  }
.LBB2_1:
0x3f: {  	[tilespmem:s21], [sflag:$0x2] =	stream.linear.gather [hbm4b:s2+s4], $0x4000, $0x38;
	[tilespmem:$0x18100] =	vst v63  }
0x40: {  	_ =	swait.ge [sflag:s22], $0x4000  }
0x41: {  	[sflag:s22] =	ssyncset.done $0x0  }
0x42: {  	[sflag:s22] =	ssyncadd.s32 $0xFFFFC000  }
0x43: {  	[spmem:s6] =	stream.linear.scatter [tilespmem:s21], [sflag:$0x2], $0x4000, $0x38;
	[tilespmem:$0x18100] =	vst v63  }
0x44: {  	_ =	swait.ge [sflag:s22], $0x4000  }
0x45: {  	[sflag:s22] =	ssyncset.done $0x0  }
0x46: {  	[sflag:s22] =	ssyncadd.s32 $0xFFFFC000  }
0x47: {  	[spmem:s7] =	stream.linear.scatter [tilespmem:s21], [sflag:$0x2], $0x4000, $0x38;
	[tilespmem:$0x18100] =	vst v63  }
0x48: {  	_ =	swait.ge [sflag:s22], $0x4000  }
0x49: {  	[sflag:s22] =	ssyncset.done $0x0  }
0x4a: {  	[sflag:s22] =	ssyncadd.s32 $0xFFFFC000  }
0x4b: {  	[spmem:s8] =	stream.linear.scatter [tilespmem:s21], [sflag:$0x2], $0x4000, $0x38;
	[tilespmem:$0x18100] =	vst v63  }
0x4c: {  	_ =	swait.ge [sflag:s22], $0x4000  }
0x4d: {  	[sflag:s22] =	ssyncset.done $0x0  }
0x4e: {  	[sflag:s22] =	ssyncadd.s32 $0xFFFFC000  }
0x4f: {  	[spmem:s9] =	stream.linear.scatter [tilespmem:s21], [sflag:$0x2], $0x4000, $0x38;
	[tilespmem:$0x18100] =	vst v63  }
0x50: {  	_ =	swait.ge [sflag:s22], $0x4000  }
0x51: {  	[sflag:s22] =	ssyncset.done $0x0  }
0x52: {  	[sflag:s22] =	ssyncadd.s32 $0xFFFFC000  }
0x53: {  	[spmem:s10] =	stream.linear.scatter [tilespmem:s21], [sflag:$0x2], $0x4000, $0x38;
	[tilespmem:$0x18100] =	vst v63  }
.Ltmp2:
0x54: {  	_ =	swait.ge [sflag:s22], $0x4000;
	(pc) =	sbr.rel @p0 .LBB2_5-.Ltmp2, $3  }
0x55: {  	[sflag:s22] =	ssyncset.done $0x0  }
0x56: {  	[sflag:s22] =	ssyncadd.s32 $0xFFFFC000  }
0x57: {  	[bflag:$0x0] =	sbarrier.arrive $0xFFFF;
	_ =	sdelay $0x1  }
0x58: {  	[tilespmem:s23], [sflag:$0x2] =	stream.linear.gather [hbm4b:s20+s4], $0x80, $0x38;
	[tilespmem:$0x18100] =	vst v63  }
0x59: {  	_ =	swait.ge [sflag:s22], $0x80  }
0x5a: {  	[sflag:s22] =	ssyncset.done $0x0  }
0x5b: {  	[sflag:s22] =	ssyncadd.s32 $0xFFFFFF80  }
0x5c: {  	[tilespmem:s24], [sflag:$0x2] =	stream.linear.gather [hbm4b:s19+s4], $0x80, $0x38;
	[tilespmem:$0x18100] =	vst v63  }
0x5d: {  	_ =	swait.ge [sflag:s22], $0x80  }
0x5e: {  	[sflag:s22] =	ssyncset.done $0x0  }
0x5f: {  	s29 =	sadd.s32 $0x1, s11;
	[sflag:s22] =	ssyncadd.s32 $0xFFFFFF80  }
0x60: {  	[tilespmem:s21], [sflag:$0x1] =	stream.indirect.gather [hbm4b:s5+s25], $0x80, s23, s25, $0xb8;
	[tilespmem:$0x18100] =	vst v63  }
0x61: {  	p1 =	slt.u32 s29, s12;
	_ =	swait.ge [sflag:s26], $0x4000  }
.Ltmp3:
0x62: {  	[sflag:s26] =	ssyncset.done $0x0;
	(pc) =	sbr.rel @!p1 .LBB2_4-.Ltmp3, $4  }
0x63: {  	[sflag:s26] =	ssyncadd.s32 $0xFFFFC000  }
0x64: {  	[spmem:s3] =	stream.indirect.scatter.add.f32 [tilespmem:s21], [sflag:$0x2], $0x80, s24, s25, $0xb8;
	[tilespmem:$0x18100] =	vst v63  }
0x65: {  	_ =	swait.ge [sflag:s22], $0x4000  }
0x66: {  	s30 =	sadd.s32 $0x10, s20;
	s31 =	smov.u32 s19;
	[sflag:s22] =	ssyncset.done $0x0  }
.LBB2_3:
0x67: {  	s29 =	sadd.s32 $0x1, s29;
	[sflag:s22] =	ssyncadd.s32 $0xFFFFC000;
	s31 =	sadd.s32 $0x10, s31  }
0x68: {  	[tilespmem:s23], [sflag:$0x2] =	stream.linear.gather [hbm4b:s30+s4], $0x80, $0x38;
	[tilespmem:$0x18100] =	vst v63  }
0x69: {  	p1 =	slt.u32 s29, s12;
	_ =	swait.ge [sflag:s22], $0x80  }
0x6a: {  	[sflag:s22] =	ssyncset.done $0x0  }
0x6b: {  	[sflag:s22] =	ssyncadd.s32 $0xFFFFFF80  }
0x6c: {  	[tilespmem:s24], [sflag:$0x2] =	stream.linear.gather [hbm4b:s31+s4], $0x80, $0x38;
	[tilespmem:$0x18100] =	vst v63  }
0x6d: {  	_ =	swait.ge [sflag:s22], $0x80  }
0x6e: {  	[sflag:s22] =	ssyncset.done $0x0  }
0x6f: {  	[sflag:s22] =	ssyncadd.s32 $0xFFFFFF80  }
0x70: {  	[tilespmem:s21], [sflag:$0x1] =	stream.indirect.gather [hbm4b:s5+s25], $0x80, s23, s25, $0xb8;
	[tilespmem:$0x18100] =	vst v63  }
0x71: {  	_ =	swait.ge [sflag:s26], $0x4000  }
.Ltmp4:
0x72: {  	[sflag:s26] =	ssyncset.done $0x0;
	(pc) =	sbr.rel @p1 .LBB2_3-.Ltmp4, $4  }
0x73: {  	[sflag:s26] =	ssyncadd.s32 $0xFFFFC000  }
0x74: {  	[spmem:s3] =	stream.indirect.scatter.add.f32 [tilespmem:s21], [sflag:$0x2], $0x80, s24, s25, $0xb8;
	[tilespmem:$0x18100] =	vst v63  }
0x75: {  	_ =	swait.ge [sflag:s22], $0x4000  }
0x76: {  	s30 =	sadd.s32 $0x10, s30;
	[sflag:s22] =	ssyncset.done $0x0  }
.Ltmp5:
0x77: {  	_ = 	snop;
	(pc) =	sbr.rel .LBB2_4-.Ltmp5, $1  }
0x78: {  	_ =	sdelay $0x3  }
.LBB2_6:
0x79: {  	_ =	sfence.sel $0x180000  }
0x7a: {  	[bflag:$0x0] =	sbarrier.arrive $0xFFFF  }
0x7b: {  	p0 =	sne.s32 s0, $0x0;
	_ =	strace $0x9000004A  }
0x7c: {  	s0 =	sadd.s32 @!p0 $0x100000, s1;
	[bflag:$0x2] =	sbarrier.arrive $0xFFFF  }
0x7d: {  	[sflag:s0] =	ssyncadd.tile.s32 @!p0 $0x1;
	_ =	shalt  }
.Lfunc_end2:
_tile_overlayer_lowered:
.L_overlay_start_2:
0x7e: {  	(tag) =	ssettag $0x2  }
0x7f: {  	s0 =	rddreg [dreg:$0x0];
	s2 =	stileid.u32  }
0x80: {  	s1 =	rddreg [dreg:$0x1];
	p0 =	sne.s32 s2, $0x0  }
0x81: {  	s3 =	rddreg [dreg:$0x2];
	[bflag:$0x3] =	sbarrier.arrive $0xFFFF;
	s2 =	simm.s32 @!p0 $0x1C02  }
0x82: {  	[timem:s3], [sflag:s2] =	dma.local @!p0 [hbm:s0], s1  }
0x83: {  	s0 =	simm.s32 @!p0 $0x2  }
0x84: {  	_ =	swait.ge @!p0 [sflag:s0], s1  }
0x85: {  	s1 =	ssub.s32 @!p0 $0x0, s1;
	[sflag:s0] =	ssyncset.done @!p0 $0x0  }
0x86: {  	[sflag:s0] =	ssyncadd.s32 @!p0 s1  }
0x87: {  	[bflag:$0x3] =	sbarrier.arrive $0xFFFF  }
0x88: {  	_ =	shalt  }

</sc_bundles>
